<compile_context>
chip_gen: v7x
topology: tpu7x:2x2x1
jax: 0.10.2.dev20260603
libtpu: 0.0.44.dev20260713+nightly
codegen_flags: <defaults>
</compile_context>

<pallas_src>
import functools

import jax
import jax.numpy as jnp
from jax import lax
from jax.experimental import pallas as pl
from jax.experimental.pallas import tpu as pltpu
from jax.experimental.pallas import tpu_sc as plsc

N_NODES = 10000
N_EDGES = 160000
IN_DIM = 256
OUT_DIM = 256
HALF = 128

CHUNK = 128
TILES = 16
CH_PER_TILE = 79
E_PAD = TILES * CH_PER_TILE * CHUNK
N_PAD = 10240
ROWS_PER_TILE = N_PAD // TILES


def _sc_aggregate(x_lo, x_hi, src_p, dst_p, z_h, z_d):
    mesh = plsc.VectorSubcoreMesh(core_axis_name="c", subcore_axis_name="s")
    f32 = jnp.float32

    @functools.partial(
        pl.kernel,
        out_type=[
            jax.ShapeDtypeStruct((N_PAD, HALF), f32),
            jax.ShapeDtypeStruct((N_PAD, HALF), f32),
            jax.ShapeDtypeStruct((N_PAD,), f32),
            jax.ShapeDtypeStruct((N_PAD,), f32),
        ],
        mesh=mesh,
        scratch_types=[
            pltpu.VMEM((CHUNK,), jnp.int32),
            pltpu.VMEM((CHUNK,), jnp.int32),
            pltpu.VMEM((CHUNK, HALF), f32),
            pltpu.VMEM((CHUNK,), f32),
            pltpu.VMEM_SHARED((N_PAD, HALF), f32),
            pltpu.VMEM_SHARED((N_PAD,), f32),
            pltpu.SemaphoreType.DMA,
        ],
    )
    def agg(xlo_hbm, xhi_hbm, src_hbm, dst_hbm, zh_hbm, zd_hbm,
            h0_out, h1_out, d0_out, d1_out,
            src_v, dst_v, rows_v, ones_v, sh_h, sh_d, sem):
        cid = lax.axis_index("c")
        sid = lax.axis_index("s")
        row0 = sid * ROWS_PER_TILE

        for i in range(CHUNK // 16):
            ones_v[pl.ds(i * 16, 16)] = jnp.ones((16,), f32)

        @pl.when(sid == 0)
        def _():
            pltpu.sync_copy(zh_hbm, sh_h)
            pltpu.sync_copy(zd_hbm, sh_d)

        plsc.subcore_barrier()

        def run(x_hbm, deg_lo):
            def body(i, _):
                base = (sid * CH_PER_TILE + i) * CHUNK
                pltpu.sync_copy(src_hbm.at[pl.ds(base, CHUNK)], src_v)
                pltpu.sync_copy(dst_hbm.at[pl.ds(base, CHUNK)], dst_v)
                pltpu.async_copy(x_hbm.at[src_v], rows_v, sem).wait()
                pltpu.sync_copy(rows_v, sh_h.at[dst_v], add=True)
                dcond = (i < 40) if deg_lo else (i >= 40)

                @pl.when(dcond)
                def _():
                    pltpu.sync_copy(ones_v, sh_d.at[dst_v], add=True)
                return 0
            lax.fori_loop(0, CH_PER_TILE, body, 0)

        @pl.when(cid == 0)
        def _():
            run(xlo_hbm, True)

        @pl.when(cid == 1)
        def _():
            run(xhi_hbm, False)

        plsc.subcore_barrier()

        @pl.when(cid == 0)
        def _():
            pltpu.sync_copy(sh_h.at[pl.ds(row0, ROWS_PER_TILE)],
                            h0_out.at[pl.ds(row0, ROWS_PER_TILE)])
            pltpu.sync_copy(sh_d.at[pl.ds(row0, ROWS_PER_TILE)],
                            d0_out.at[pl.ds(row0, ROWS_PER_TILE)])

        @pl.when(cid == 1)
        def _():
            pltpu.sync_copy(sh_h.at[pl.ds(row0, ROWS_PER_TILE)],
                            h1_out.at[pl.ds(row0, ROWS_PER_TILE)])
            pltpu.sync_copy(sh_d.at[pl.ds(row0, ROWS_PER_TILE)],
                            d1_out.at[pl.ds(row0, ROWS_PER_TILE)])

    return agg(x_lo, x_hi, src_p, dst_p, z_h, z_d)


def _tc_tail(x, h_lo, h_hi, d0, d1, w_lo, w_hi, b2, alpha2, g2, beta2):
    BLK = 1000

    def body(x_ref, h0_ref, h1_ref, d0_ref, d1_ref, wlo_ref, whi_ref,
             b_ref, a_ref, g_ref, bt_ref, o_ref):
        x_blk = x_ref[...]
        deg = d0_ref[...] + d1_ref[...]
        inv = 1.0 / (deg + 1.0)
        pre_lo = (h0_ref[...] + x_blk[:, :HALF]) * inv
        pre_hi = (h1_ref[...] + x_blk[:, HALF:]) * inv
        out = jnp.dot(pre_lo, wlo_ref[...], preferred_element_type=jnp.float32)
        out = out + jnp.dot(pre_hi, whi_ref[...],
                            preferred_element_type=jnp.float32)
        out = out + b_ref[...]
        a = jax.nn.sigmoid(a_ref[0, 0])
        out = out * a + x_blk * (1.0 - a)
        mean = jnp.mean(out, axis=-1, keepdims=True)
        var = jnp.mean((out - mean) ** 2, axis=-1, keepdims=True)
        o_ref[...] = ((out - mean) * lax.rsqrt(var + 1e-5)) * g_ref[...] \
            + bt_ref[...]

    grid = (N_NODES // BLK,)
    return pl.pallas_call(
        body,
        grid=grid,
        in_specs=[
            pl.BlockSpec((BLK, IN_DIM), lambda i: (i, 0)),
            pl.BlockSpec((BLK, HALF), lambda i: (i, 0)),
            pl.BlockSpec((BLK, HALF), lambda i: (i, 0)),
            pl.BlockSpec((BLK, 1), lambda i: (i, 0)),
            pl.BlockSpec((BLK, 1), lambda i: (i, 0)),
            pl.BlockSpec((HALF, OUT_DIM), lambda i: (0, 0)),
            pl.BlockSpec((HALF, OUT_DIM), lambda i: (0, 0)),
            pl.BlockSpec((1, OUT_DIM), lambda i: (0, 0)),
            pl.BlockSpec((1, 1), lambda i: (0, 0)),
            pl.BlockSpec((1, OUT_DIM), lambda i: (0, 0)),
            pl.BlockSpec((1, OUT_DIM), lambda i: (0, 0)),
        ],
        out_specs=pl.BlockSpec((BLK, OUT_DIM), lambda i: (i, 0)),
        out_shape=jax.ShapeDtypeStruct((N_NODES, OUT_DIM), jnp.float32),
    )(x, h_lo, h_hi, d0, d1, w_lo, w_hi, b2, alpha2, g2, beta2)


def kernel(x, edge_index, W, b, alpha, ln_gamma, ln_beta):
    src = edge_index[0].astype(jnp.int32)
    dst = edge_index[1].astype(jnp.int32)
    pad = E_PAD - N_EDGES
    src_p = jnp.concatenate([src, jnp.zeros((pad,), jnp.int32)])
    dst_p = jnp.concatenate([dst, jnp.full((pad,), N_NODES, jnp.int32)])
    x_lo = x[:, :HALF]
    x_hi = x[:, HALF:]
    z_h = jnp.zeros((N_PAD, HALF), jnp.float32)
    z_d = jnp.zeros((N_PAD,), jnp.float32)

    h_lo, h_hi, d0, d1 = _sc_aggregate(x_lo, x_hi, src_p, dst_p, z_h, z_d)
    h_lo = h_lo[:N_NODES]
    h_hi = h_hi[:N_NODES]
    d0 = d0[:N_NODES].reshape(N_NODES, 1)
    d1 = d1[:N_NODES].reshape(N_NODES, 1)

    wt = W.T
    w_lo = wt[:HALF, :]
    w_hi = wt[HALF:, :]
    b2 = b.reshape(1, OUT_DIM)
    alpha2 = alpha.reshape(1, 1)
    g2 = ln_gamma.reshape(1, OUT_DIM)
    beta2 = ln_beta.reshape(1, OUT_DIM)
    return _tc_tail(x, h_lo, h_hi, d0, d1, w_lo, w_hi, b2, alpha2, g2, beta2)

# --- scband reference (transcript-rebuilt; emitter-appended) ---
"""Pipeline reference for scband-khop-mecchlayer-37452114821490 (READ-ONLY COPY).

The authoritative reference and input builder live on the scoring server;
editing this copy changes nothing except your own understanding.
"""

import jax, jax.numpy as jnp
import numpy as np

N_NODES = 10000
N_EDGES = 160000
IN_DIM = 256
OUT_DIM = 256


def setup_inputs(seed: int = 0) -> dict:
    key = jax.random.key(seed)
    k_x, k_e, k_w, k_b = jax.random.split(key, 4)
    x = jax.random.normal(k_x, (N_NODES, IN_DIM), dtype=jnp.float32)
    edge_index = jax.random.randint(k_e, (2, N_EDGES), 0, N_NODES, dtype=jnp.int64)
    # nn.Linear(in_dim, out_dim): kaiming-uniform-ish init
    bound = 1.0 / np.sqrt(IN_DIM)
    W = jax.random.uniform(k_w, (OUT_DIM, IN_DIM), minval=-bound, maxval=bound, dtype=jnp.float32)
    b = jax.random.uniform(k_b, (OUT_DIM,), minval=-bound, maxval=bound, dtype=jnp.float32)
    # residual gate alpha (initialized to 0.0 in torch)
    alpha = jnp.zeros((), dtype=jnp.float32)
    # LayerNorm params
    ln_gamma = jnp.ones((OUT_DIM,), dtype=jnp.float32)
    ln_beta = jnp.zeros((OUT_DIM,), dtype=jnp.float32)
    return {"x": x, "edge_index": edge_index, "W": W, "b": b,
            "alpha": alpha, "ln_gamma": ln_gamma, "ln_beta": ln_beta}


def reference(x, edge_index, W, b, alpha, ln_gamma, ln_beta):
    # Single-ntype instantiation of khopMECCHLayer.forward.
    # All nodes are both src and dst (num_dst_nodes == N).
    src = edge_index[0]
    dst = edge_index[1]
    N = x.shape[0]
    # copy_u('h_src','m') + sum('m','h_neigh')  -> scatter-add over dst
    h_neigh = jnp.zeros((N, x.shape[1]), dtype=x.dtype).at[dst].add(x[src])
    # num_neigh = in_degrees per dst node
    num_neigh = jnp.zeros((N,), dtype=x.dtype).at[dst].add(1.0)
    h_dst = x  # h_dict[ntype][:num_dst_nodes]
    out = (h_neigh + h_dst) / jnp.expand_dims(num_neigh + 1.0, -1)
    # linear
    out = out @ W.T + b
    # residual: in_dim == out_dim -> Identity residual branch
    a = jax.nn.sigmoid(alpha)
    out = out * a + h_dst * (1.0 - a)
    # layer norm (per-ntype)
    mean = jnp.mean(out, axis=-1, keepdims=True)
    var = jnp.var(out, axis=-1, keepdims=True)
    out = (out - mean) / jnp.sqrt(var + 1e-5) * ln_gamma + ln_beta
    # activation is None; dropout in eval mode is identity
    return out

if __name__ == "__main__":
    import jax
    _d = setup_inputs()
    print(jax.jit(kernel)(*tuple(_d.values())))

</pallas_src>

<mosaic_0001>
#map = affine_map<(d0, d1) -> (0, 0)>
#map1 = affine_map<(d0, d1) -> (0)>
module attributes {stable_mosaic.version = 14 : i64} {
  func.func @agg(%arg0: i32, %arg1: i32, %arg2: memref<10000x128xf32, #tpu.memory_space<hbm>>, %arg3: memref<10000x128xf32, #tpu.memory_space<hbm>>, %arg4: memref<161792xi32, #tpu.memory_space<hbm>>, %arg5: memref<161792xi32, #tpu.memory_space<hbm>>, %arg6: memref<10240x128xf32, #tpu.memory_space<hbm>>, %arg7: memref<10240xf32, #tpu.memory_space<hbm>>, %arg8: memref<10240x128xf32, #tpu.memory_space<hbm>>, %arg9: memref<10240x128xf32, #tpu.memory_space<hbm>>, %arg10: memref<10240xf32, #tpu.memory_space<hbm>>, %arg11: memref<10240xf32, #tpu.memory_space<hbm>>, %arg12: memref<128xi32, #tpu.memory_space<vmem>>, %arg13: memref<128xi32, #tpu.memory_space<vmem>>, %arg14: memref<128x128xf32, #tpu.memory_space<vmem>>, %arg15: memref<128xf32, #tpu.memory_space<vmem>>, %arg16: memref<10240x128xf32, #tpu.memory_space<vmem_shared>>, %arg17: memref<10240xf32, #tpu.memory_space<vmem_shared>>, %arg18: memref<!tpu.dma_semaphore, #tpu.memory_space<semaphore_mem>>) attributes {dimension_semantics = [#tpu.dimension_semantics<core_parallel>, #tpu.dimension_semantics<subcore_parallel>], iteration_bounds = array<i64: 2, 16>, scalar_prefetch = 0 : i64, scratch_operands = 7 : i64, tpu.core_type = #tpu.core_type<sc_vector_subcore>, window_params = [{transform_indices = #map}, {transform_indices = #map}, {transform_indices = #map1}, {transform_indices = #map1}, {transform_indices = #map}, {transform_indices = #map1}, {transform_indices = #map}, {transform_indices = #map}, {transform_indices = #map1}, {transform_indices = #map1}]} {
    %mul3A = arith.constant 640 : i32
    %mul3A_0 = arith.muli %arg1, %mul3A : i32
    %broadcast_in_dim3A = arith.constant 1.000000e+00 : f32
    %broadcast_in_dim3A_1 = vector.broadcast %broadcast_in_dim3A : f32 to vector<16xf32>
    %swap3A = arith.constant 0 : index
    %swap3A_2 = tpu.vector_load %arg15[%swap3A] {strides = array<i32>} : memref<128xf32, #tpu.memory_space<vmem>>, vector<16xf32>,
    %swap3A_3 = vector.shape_cast %swap3A_2 : vector<16xf32> to vector<16xf32>
    %swap3A_4 = vector.shape_cast %broadcast_in_dim3A_1 : vector<16xf32> to vector<16xf32>
    tpu.vector_store %arg15[%swap3A], %swap3A_4 {strides = array<i32>} : memref<128xf32, #tpu.memory_space<vmem>>, vector<16xf32>,
    %broadcast_in_dim3A_5 = arith.constant 1.000000e+00 : f32
    %broadcast_in_dim3A_6 = vector.broadcast %broadcast_in_dim3A_5 : f32 to vector<16xf32>
    %swap3A_7 = arith.constant 16 : index
    %swap3A_8 = tpu.vector_load %arg15[%swap3A_7] {strides = array<i32>} : memref<128xf32, #tpu.memory_space<vmem>>, vector<16xf32>,
    %swap3A_9 = vector.shape_cast %swap3A_8 : vector<16xf32> to vector<16xf32>
    %swap3A_10 = vector.shape_cast %broadcast_in_dim3A_6 : vector<16xf32> to vector<16xf32>
    tpu.vector_store %arg15[%swap3A_7], %swap3A_10 {strides = array<i32>} : memref<128xf32, #tpu.memory_space<vmem>>, vector<16xf32>,
    %broadcast_in_dim3A_11 = arith.constant 1.000000e+00 : f32
    %broadcast_in_dim3A_12 = vector.broadcast %broadcast_in_dim3A_11 : f32 to vector<16xf32>
    %swap3A_13 = arith.constant 32 : index
    %swap3A_14 = tpu.vector_load %arg15[%swap3A_13] {strides = array<i32>} : memref<128xf32, #tpu.memory_space<vmem>>, vector<16xf32>,
    %swap3A_15 = vector.shape_cast %swap3A_14 : vector<16xf32> to vector<16xf32>
    %swap3A_16 = vector.shape_cast %broadcast_in_dim3A_12 : vector<16xf32> to vector<16xf32>
    tpu.vector_store %arg15[%swap3A_13], %swap3A_16 {strides = array<i32>} : memref<128xf32, #tpu.memory_space<vmem>>, vector<16xf32>,
    %broadcast_in_dim3A_17 = arith.constant 1.000000e+00 : f32
    %broadcast_in_dim3A_18 = vector.broadcast %broadcast_in_dim3A_17 : f32 to vector<16xf32>
    %swap3A_19 = arith.constant 48 : index
    %swap3A_20 = tpu.vector_load %arg15[%swap3A_19] {strides = array<i32>} : memref<128xf32, #tpu.memory_space<vmem>>, vector<16xf32>,
    %swap3A_21 = vector.shape_cast %swap3A_20 : vector<16xf32> to vector<16xf32>
    %swap3A_22 = vector.shape_cast %broadcast_in_dim3A_18 : vector<16xf32> to vector<16xf32>
    tpu.vector_store %arg15[%swap3A_19], %swap3A_22 {strides = array<i32>} : memref<128xf32, #tpu.memory_space<vmem>>, vector<16xf32>,
    %broadcast_in_dim3A_23 = arith.constant 1.000000e+00 : f32
    %broadcast_in_dim3A_24 = vector.broadcast %broadcast_in_dim3A_23 : f32 to vector<16xf32>
    %swap3A_25 = arith.constant 64 : index
    %swap3A_26 = tpu.vector_load %arg15[%swap3A_25] {strides = array<i32>} : memref<128xf32, #tpu.memory_space<vmem>>, vector<16xf32>,
    %swap3A_27 = vector.shape_cast %swap3A_26 : vector<16xf32> to vector<16xf32>
    %swap3A_28 = vector.shape_cast %broadcast_in_dim3A_24 : vector<16xf32> to vector<16xf32>
    tpu.vector_store %arg15[%swap3A_25], %swap3A_28 {strides = array<i32>} : memref<128xf32, #tpu.memory_space<vmem>>, vector<16xf32>,
    %broadcast_in_dim3A_29 = arith.constant 1.000000e+00 : f32
    %broadcast_in_dim3A_30 = vector.broadcast %broadcast_in_dim3A_29 : f32 to vector<16xf32>
    %swap3A_31 = arith.constant 80 : index
    %swap3A_32 = tpu.vector_load %arg15[%swap3A_31] {strides = array<i32>} : memref<128xf32, #tpu.memory_space<vmem>>, vector<16xf32>,
    %swap3A_33 = vector.shape_cast %swap3A_32 : vector<16xf32> to vector<16xf32>
    %swap3A_34 = vector.shape_cast %broadcast_in_dim3A_30 : vector<16xf32> to vector<16xf32>
    tpu.vector_store %arg15[%swap3A_31], %swap3A_34 {strides = array<i32>} : memref<128xf32, #tpu.memory_space<vmem>>, vector<16xf32>,
    %broadcast_in_dim3A_35 = arith.constant 1.000000e+00 : f32
    %broadcast_in_dim3A_36 = vector.broadcast %broadcast_in_dim3A_35 : f32 to vector<16xf32>
    %swap3A_37 = arith.constant 96 : index
    %swap3A_38 = tpu.vector_load %arg15[%swap3A_37] {strides = array<i32>} : memref<128xf32, #tpu.memory_space<vmem>>, vector<16xf32>,
    %swap3A_39 = vector.shape_cast %swap3A_38 : vector<16xf32> to vector<16xf32>
    %swap3A_40 = vector.shape_cast %broadcast_in_dim3A_36 : vector<16xf32> to vector<16xf32>
    tpu.vector_store %arg15[%swap3A_37], %swap3A_40 {strides = array<i32>} : memref<128xf32, #tpu.memory_space<vmem>>, vector<16xf32>,
    %broadcast_in_dim3A_41 = arith.constant 1.000000e+00 : f32
    %broadcast_in_dim3A_42 = vector.broadcast %broadcast_in_dim3A_41 : f32 to vector<16xf32>
    %swap3A_43 = arith.constant 112 : index
    %swap3A_44 = tpu.vector_load %arg15[%swap3A_43] {strides = array<i32>} : memref<128xf32, #tpu.memory_space<vmem>>, vector<16xf32>,
    %swap3A_45 = vector.shape_cast %swap3A_44 : vector<16xf32> to vector<16xf32>
    %swap3A_46 = vector.shape_cast %broadcast_in_dim3A_42 : vector<16xf32> to vector<16xf32>
    tpu.vector_store %arg15[%swap3A_43], %swap3A_46 {strides = array<i32>} : memref<128xf32, #tpu.memory_space<vmem>>, vector<16xf32>,
    %eq3A = arith.constant 0 : i32
    %eq3A_47 = arith.cmpi eq, %arg1, %eq3A : i32
    %convert_element_type3A = arith.extui %eq3A_47 : i1 to i32
    %cond3A = arith.constant 0 : i32
    %cond3A_48 = arith.cmpi ne, %convert_element_type3A, %cond3A : i32
    scf.if %cond3A_48 {
      "tpu.region"() ({
        %run_scoped3A = tpu.sem_alloc : memref<!tpu.dma_semaphore, #tpu.memory_space<semaphore_mem>>
        tpu.enqueue_dma source(%arg6 : memref<10240x128xf32, #tpu.memory_space<hbm>>) target(%arg16 : memref<10240x128xf32, #tpu.memory_space<vmem_shared>>) target_semaphore(%run_scoped3A : memref<!tpu.dma_semaphore, #tpu.memory_space<semaphore_mem>>)
        tpu.wait_dma2 semaphore(%run_scoped3A : memref<!tpu.dma_semaphore, #tpu.memory_space<semaphore_mem>>) src(%arg6 : memref<10240x128xf32, #tpu.memory_space<hbm>>) dst(%arg16 : memref<10240x128xf32, #tpu.memory_space<vmem_shared>>)
        tpu.yield
      }) : () -> ()
      "tpu.region"() ({
        %run_scoped3A = tpu.sem_alloc : memref<!tpu.dma_semaphore, #tpu.memory_space<semaphore_mem>>
        tpu.enqueue_dma source(%arg7 : memref<10240xf32, #tpu.memory_space<hbm>>) target(%arg17 : memref<10240xf32, #tpu.memory_space<vmem_shared>>) target_semaphore(%run_scoped3A : memref<!tpu.dma_semaphore, #tpu.memory_space<semaphore_mem>>)
        tpu.wait_dma2 semaphore(%run_scoped3A : memref<!tpu.dma_semaphore, #tpu.memory_space<semaphore_mem>>) src(%arg7 : memref<10240xf32, #tpu.memory_space<hbm>>) dst(%arg17 : memref<10240xf32, #tpu.memory_space<vmem_shared>>)
        tpu.yield
      }) : () -> ()
    } else {
    }
    %barrier3A = arith.constant 0 : index
    tpu.barrier barrier_id(%barrier3A)
    %eq3A_49 = arith.constant 0 : i32
    %eq3A_50 = arith.cmpi eq, %arg0, %eq3A_49 : i32
    %convert_element_type3A_51 = arith.extui %eq3A_50 : i1 to i32
    %cond3A_52 = arith.constant 0 : i32
    %cond3A_53 = arith.cmpi ne, %convert_element_type3A_51, %cond3A_52 : i32
    scf.if %cond3A_53 {
      %scan3A = arith.constant 0 : i32
      %scan3A_70 = arith.constant 0 : i32
      %scan3A_71 = arith.constant 79 : i32
      %scan3A_72 = arith.addi %scan3A_70, %scan3A_71 : i32
      %scan3A_73 = arith.constant 1 : i32
      %scan3A_74 = scf.for %scan3A_76 = %scan3A_70 to %scan3A_72 step %scan3A_73 iter_args(%scan3A_77 = %scan3A) -> (i32)  : i32 {
        %mul3A_78 = arith.constant 79 : i32
        %mul3A_79 = arith.muli %arg1, %mul3A_78 : i32
        %add3A = arith.addi %mul3A_79, %scan3A_76 : i32
        %mul3A_80 = arith.constant 128 : i32
        %mul3A_81 = arith.muli %add3A, %mul3A_80 : i32
        "tpu.region"() ({
          %run_scoped3A = tpu.sem_alloc : memref<!tpu.dma_semaphore, #tpu.memory_space<semaphore_mem>>
          %dma_start3A_91 = tpu.memref_slice %arg4[%mul3A_81] : memref<161792xi32, #tpu.memory_space<hbm>> -> memref<128xi32, #tpu.memory_space<hbm>>
          %dma_start3A_92 = tpu.memref_slice %arg4[%mul3A_81] : memref<161792xi32, #tpu.memory_space<hbm>> -> memref<128xi32, #tpu.memory_space<hbm>>
          tpu.enqueue_dma source(%dma_start3A_92 : memref<128xi32, #tpu.memory_space<hbm>>) target(%arg12 : memref<128xi32, #tpu.memory_space<vmem>>) target_semaphore(%run_scoped3A : memref<!tpu.dma_semaphore, #tpu.memory_space<semaphore_mem>>)
          %dma_wait3A_93 = tpu.memref_slice %arg4[%mul3A_81] : memref<161792xi32, #tpu.memory_space<hbm>> -> memref<128xi32, #tpu.memory_space<hbm>>
          %dma_wait3A_94 = tpu.memref_slice %arg4[%mul3A_81] : memref<161792xi32, #tpu.memory_space<hbm>> -> memref<128xi32, #tpu.memory_space<hbm>>
          tpu.wait_dma2 semaphore(%run_scoped3A : memref<!tpu.dma_semaphore, #tpu.memory_space<semaphore_mem>>) src(%dma_wait3A_94 : memref<128xi32, #tpu.memory_space<hbm>>) dst(%arg12 : memref<128xi32, #tpu.memory_space<vmem>>)
          tpu.yield
        }) : () -> ()
        "tpu.region"() ({
          %run_scoped3A = tpu.sem_alloc : memref<!tpu.dma_semaphore, #tpu.memory_space<semaphore_mem>>
          %dma_start3A_91 = tpu.memref_slice %arg5[%mul3A_81] : memref<161792xi32, #tpu.memory_space<hbm>> -> memref<128xi32, #tpu.memory_space<hbm>>
          %dma_start3A_92 = tpu.memref_slice %arg5[%mul3A_81] : memref<161792xi32, #tpu.memory_space<hbm>> -> memref<128xi32, #tpu.memory_space<hbm>>
          tpu.enqueue_dma source(%dma_start3A_92 : memref<128xi32, #tpu.memory_space<hbm>>) target(%arg13 : memref<128xi32, #tpu.memory_space<vmem>>) target_semaphore(%run_scoped3A : memref<!tpu.dma_semaphore, #tpu.memory_space<semaphore_mem>>)
          %dma_wait3A_93 = tpu.memref_slice %arg5[%mul3A_81] : memref<161792xi32, #tpu.memory_space<hbm>> -> memref<128xi32, #tpu.memory_space<hbm>>
          %dma_wait3A_94 = tpu.memref_slice %arg5[%mul3A_81] : memref<161792xi32, #tpu.memory_space<hbm>> -> memref<128xi32, #tpu.memory_space<hbm>>
          tpu.wait_dma2 semaphore(%run_scoped3A : memref<!tpu.dma_semaphore, #tpu.memory_space<semaphore_mem>>) src(%dma_wait3A_94 : memref<128xi32, #tpu.memory_space<hbm>>) dst(%arg13 : memref<128xi32, #tpu.memory_space<vmem>>)
          tpu.yield
        }) : () -> ()
        %dma_start3A = arith.constant 0 : i32
        %dma_start3A_82 = arith.constant 0 : i32
        %dma_start3A_83 = tpu.memref_slice %arg2[%dma_start3A, %dma_start3A_82] : memref<10000x128xf32, #tpu.memory_space<hbm>> -> memref<10000x128xf32, #tpu.memory_space<hbm>>
        tpu.enqueue_indirect_dma source(%dma_start3A_83 : memref<10000x128xf32, #tpu.memory_space<hbm>>) target(%arg14 : memref<128x128xf32, #tpu.memory_space<vmem>>) offsets(%arg12 : memref<128xi32, #tpu.memory_space<vmem>>) semaphore(%arg18 : memref<!tpu.dma_semaphore, #tpu.memory_space<semaphore_mem>>)
        %dma_wait3A = arith.constant 0 : i32
        %dma_wait3A_84 = arith.constant 0 : i32
        %dma_wait3A_85 = tpu.memref_slice %arg2[%dma_wait3A, %dma_wait3A_84] : memref<10000x128xf32, #tpu.memory_space<hbm>> -> memref<10000x128xf32, #tpu.memory_space<hbm>>
        tpu.wait_indirect_dma semaphore(%arg18 : memref<!tpu.dma_semaphore, #tpu.memory_space<semaphore_mem>>) src(%dma_wait3A_85 : memref<10000x128xf32, #tpu.memory_space<hbm>>) dst(%arg14 : memref<128x128xf32, #tpu.memory_space<vmem>>)
        "tpu.region"() ({
          %run_scoped3A = tpu.sem_alloc : memref<!tpu.dma_semaphore, #tpu.memory_space<semaphore_mem>>
          %dma_start3A_91 = arith.constant 0 : i32
          %dma_start3A_92 = arith.constant 0 : i32
          %dma_start3A_93 = tpu.memref_slice %arg16[%dma_start3A_91, %dma_start3A_92] : memref<10240x128xf32, #tpu.memory_space<vmem_shared>> -> memref<10240x128xf32, #tpu.memory_space<vmem_shared>>
          tpu.enqueue_indirect_dma source(%arg14 : memref<128x128xf32, #tpu.memory_space<vmem>>) target(%dma_start3A_93 : memref<10240x128xf32, #tpu.memory_space<vmem_shared>>) offsets(%arg13 : memref<128xi32, #tpu.memory_space<vmem>>) semaphore(%run_scoped3A : memref<!tpu.dma_semaphore, #tpu.memory_space<semaphore_mem>>) {add = true}
          %dma_wait3A_94 = arith.constant 0 : i32
          %dma_wait3A_95 = arith.constant 0 : i32
          %dma_wait3A_96 = tpu.memref_slice %arg16[%dma_wait3A_94, %dma_wait3A_95] : memref<10240x128xf32, #tpu.memory_space<vmem_shared>> -> memref<10240x128xf32, #tpu.memory_space<vmem_shared>>
          tpu.wait_indirect_dma semaphore(%run_scoped3A : memref<!tpu.dma_semaphore, #tpu.memory_space<semaphore_mem>>) src(%arg14 : memref<128x128xf32, #tpu.memory_space<vmem>>) dst(%dma_wait3A_96 : memref<10240x128xf32, #tpu.memory_space<vmem_shared>>)
          tpu.yield
        }) : () -> ()
        %lt3A = arith.constant 40 : i32
        %lt3A_86 = arith.cmpi slt, %scan3A_76, %lt3A : i32
        %convert_element_type3A_87 = arith.extui %lt3A_86 : i1 to i32
        %cond3A_88 = arith.constant 0 : i32
        %cond3A_89 = arith.cmpi ne, %convert_element_type3A_87, %cond3A_88 : i32
        scf.if %cond3A_89 {
          "tpu.region"() ({
            %run_scoped3A = tpu.sem_alloc : memref<!tpu.dma_semaphore, #tpu.memory_space<semaphore_mem>>
            %dma_start3A_91 = arith.constant 0 : i32
            %dma_start3A_92 = tpu.memref_slice %arg17[%dma_start3A_91] : memref<10240xf32, #tpu.memory_space<vmem_shared>> -> memref<10240xf32, #tpu.memory_space<vmem_shared>>
            tpu.enqueue_indirect_dma source(%arg15 : memref<128xf32, #tpu.memory_space<vmem>>) target(%dma_start3A_92 : memref<10240xf32, #tpu.memory_space<vmem_shared>>) offsets(%arg13 : memref<128xi32, #tpu.memory_space<vmem>>) semaphore(%run_scoped3A : memref<!tpu.dma_semaphore, #tpu.memory_space<semaphore_mem>>) {add = true}
            %dma_wait3A_93 = arith.constant 0 : i32
            %dma_wait3A_94 = tpu.memref_slice %arg17[%dma_wait3A_93] : memref<10240xf32, #tpu.memory_space<vmem_shared>> -> memref<10240xf32, #tpu.memory_space<vmem_shared>>
            tpu.wait_indirect_dma semaphore(%run_scoped3A : memref<!tpu.dma_semaphore, #tpu.memory_space<semaphore_mem>>) src(%arg15 : memref<128xf32, #tpu.memory_space<vmem>>) dst(%dma_wait3A_94 : memref<10240xf32, #tpu.memory_space<vmem_shared>>)
            tpu.yield
          }) : () -> ()
        } else {
        }
        %scan3A_90 = arith.constant 0 : i32
        scf.yield %scan3A_90 : i32
      }
      %scan3A_75 = arith.constant 79 : i32
    } else {
    }
    %eq3A_54 = arith.constant 1 : i32
    %eq3A_55 = arith.cmpi eq, %arg0, %eq3A_54 : i32
    %convert_element_type3A_56 = arith.extui %eq3A_55 : i1 to i32
    %cond3A_57 = arith.constant 0 : i32
    %cond3A_58 = arith.cmpi ne, %convert_element_type3A_56, %cond3A_57 : i32
    scf.if %cond3A_58 {
      %scan3A = arith.constant 0 : i32
      %scan3A_70 = arith.constant 0 : i32
      %scan3A_71 = arith.constant 79 : i32
      %scan3A_72 = arith.addi %scan3A_70, %scan3A_71 : i32
      %scan3A_73 = arith.constant 1 : i32
      %scan3A_74 = scf.for %scan3A_76 = %scan3A_70 to %scan3A_72 step %scan3A_73 iter_args(%scan3A_77 = %scan3A) -> (i32)  : i32 {
        %mul3A_78 = arith.constant 79 : i32
        %mul3A_79 = arith.muli %arg1, %mul3A_78 : i32
        %add3A = arith.addi %mul3A_79, %scan3A_76 : i32
        %mul3A_80 = arith.constant 128 : i32
        %mul3A_81 = arith.muli %add3A, %mul3A_80 : i32
        "tpu.region"() ({
          %run_scoped3A = tpu.sem_alloc : memref<!tpu.dma_semaphore, #tpu.memory_space<semaphore_mem>>
          %dma_start3A_91 = tpu.memref_slice %arg4[%mul3A_81] : memref<161792xi32, #tpu.memory_space<hbm>> -> memref<128xi32, #tpu.memory_space<hbm>>
          %dma_start3A_92 = tpu.memref_slice %arg4[%mul3A_81] : memref<161792xi32, #tpu.memory_space<hbm>> -> memref<128xi32, #tpu.memory_space<hbm>>
          tpu.enqueue_dma source(%dma_start3A_92 : memref<128xi32, #tpu.memory_space<hbm>>) target(%arg12 : memref<128xi32, #tpu.memory_space<vmem>>) target_semaphore(%run_scoped3A : memref<!tpu.dma_semaphore, #tpu.memory_space<semaphore_mem>>)
          %dma_wait3A_93 = tpu.memref_slice %arg4[%mul3A_81] : memref<161792xi32, #tpu.memory_space<hbm>> -> memref<128xi32, #tpu.memory_space<hbm>>
          %dma_wait3A_94 = tpu.memref_slice %arg4[%mul3A_81] : memref<161792xi32, #tpu.memory_space<hbm>> -> memref<128xi32, #tpu.memory_space<hbm>>
          tpu.wait_dma2 semaphore(%run_scoped3A : memref<!tpu.dma_semaphore, #tpu.memory_space<semaphore_mem>>) src(%dma_wait3A_94 : memref<128xi32, #tpu.memory_space<hbm>>) dst(%arg12 : memref<128xi32, #tpu.memory_space<vmem>>)
          tpu.yield
        }) : () -> ()
        "tpu.region"() ({
          %run_scoped3A = tpu.sem_alloc : memref<!tpu.dma_semaphore, #tpu.memory_space<semaphore_mem>>
          %dma_start3A_91 = tpu.memref_slice %arg5[%mul3A_81] : memref<161792xi32, #tpu.memory_space<hbm>> -> memref<128xi32, #tpu.memory_space<hbm>>
          %dma_start3A_92 = tpu.memref_slice %arg5[%mul3A_81] : memref<161792xi32, #tpu.memory_space<hbm>> -> memref<128xi32, #tpu.memory_space<hbm>>
          tpu.enqueue_dma source(%dma_start3A_92 : memref<128xi32, #tpu.memory_space<hbm>>) target(%arg13 : memref<128xi32, #tpu.memory_space<vmem>>) target_semaphore(%run_scoped3A : memref<!tpu.dma_semaphore, #tpu.memory_space<semaphore_mem>>)
          %dma_wait3A_93 = tpu.memref_slice %arg5[%mul3A_81] : memref<161792xi32, #tpu.memory_space<hbm>> -> memref<128xi32, #tpu.memory_space<hbm>>
          %dma_wait3A_94 = tpu.memref_slice %arg5[%mul3A_81] : memref<161792xi32, #tpu.memory_space<hbm>> -> memref<128xi32, #tpu.memory_space<hbm>>
          tpu.wait_dma2 semaphore(%run_scoped3A : memref<!tpu.dma_semaphore, #tpu.memory_space<semaphore_mem>>) src(%dma_wait3A_94 : memref<128xi32, #tpu.memory_space<hbm>>) dst(%arg13 : memref<128xi32, #tpu.memory_space<vmem>>)
          tpu.yield
        }) : () -> ()
        %dma_start3A = arith.constant 0 : i32
        %dma_start3A_82 = arith.constant 0 : i32
        %dma_start3A_83 = tpu.memref_slice %arg3[%dma_start3A, %dma_start3A_82] : memref<10000x128xf32, #tpu.memory_space<hbm>> -> memref<10000x128xf32, #tpu.memory_space<hbm>>
        tpu.enqueue_indirect_dma source(%dma_start3A_83 : memref<10000x128xf32, #tpu.memory_space<hbm>>) target(%arg14 : memref<128x128xf32, #tpu.memory_space<vmem>>) offsets(%arg12 : memref<128xi32, #tpu.memory_space<vmem>>) semaphore(%arg18 : memref<!tpu.dma_semaphore, #tpu.memory_space<semaphore_mem>>)
        %dma_wait3A = arith.constant 0 : i32
        %dma_wait3A_84 = arith.constant 0 : i32
        %dma_wait3A_85 = tpu.memref_slice %arg3[%dma_wait3A, %dma_wait3A_84] : memref<10000x128xf32, #tpu.memory_space<hbm>> -> memref<10000x128xf32, #tpu.memory_space<hbm>>
        tpu.wait_indirect_dma semaphore(%arg18 : memref<!tpu.dma_semaphore, #tpu.memory_space<semaphore_mem>>) src(%dma_wait3A_85 : memref<10000x128xf32, #tpu.memory_space<hbm>>) dst(%arg14 : memref<128x128xf32, #tpu.memory_space<vmem>>)
        "tpu.region"() ({
          %run_scoped3A = tpu.sem_alloc : memref<!tpu.dma_semaphore, #tpu.memory_space<semaphore_mem>>
          %dma_start3A_91 = arith.constant 0 : i32
          %dma_start3A_92 = arith.constant 0 : i32
          %dma_start3A_93 = tpu.memref_slice %arg16[%dma_start3A_91, %dma_start3A_92] : memref<10240x128xf32, #tpu.memory_space<vmem_shared>> -> memref<10240x128xf32, #tpu.memory_space<vmem_shared>>
          tpu.enqueue_indirect_dma source(%arg14 : memref<128x128xf32, #tpu.memory_space<vmem>>) target(%dma_start3A_93 : memref<10240x128xf32, #tpu.memory_space<vmem_shared>>) offsets(%arg13 : memref<128xi32, #tpu.memory_space<vmem>>) semaphore(%run_scoped3A : memref<!tpu.dma_semaphore, #tpu.memory_space<semaphore_mem>>) {add = true}
          %dma_wait3A_94 = arith.constant 0 : i32
          %dma_wait3A_95 = arith.constant 0 : i32
          %dma_wait3A_96 = tpu.memref_slice %arg16[%dma_wait3A_94, %dma_wait3A_95] : memref<10240x128xf32, #tpu.memory_space<vmem_shared>> -> memref<10240x128xf32, #tpu.memory_space<vmem_shared>>
          tpu.wait_indirect_dma semaphore(%run_scoped3A : memref<!tpu.dma_semaphore, #tpu.memory_space<semaphore_mem>>) src(%arg14 : memref<128x128xf32, #tpu.memory_space<vmem>>) dst(%dma_wait3A_96 : memref<10240x128xf32, #tpu.memory_space<vmem_shared>>)
          tpu.yield
        }) : () -> ()
        %ge3A = arith.constant 40 : i32
        %ge3A_86 = arith.cmpi sge, %scan3A_76, %ge3A : i32
        %convert_element_type3A_87 = arith.extui %ge3A_86 : i1 to i32
        %cond3A_88 = arith.constant 0 : i32
        %cond3A_89 = arith.cmpi ne, %convert_element_type3A_87, %cond3A_88 : i32
        scf.if %cond3A_89 {
          "tpu.region"() ({
            %run_scoped3A = tpu.sem_alloc : memref<!tpu.dma_semaphore, #tpu.memory_space<semaphore_mem>>
            %dma_start3A_91 = arith.constant 0 : i32
            %dma_start3A_92 = tpu.memref_slice %arg17[%dma_start3A_91] : memref<10240xf32, #tpu.memory_space<vmem_shared>> -> memref<10240xf32, #tpu.memory_space<vmem_shared>>
            tpu.enqueue_indirect_dma source(%arg15 : memref<128xf32, #tpu.memory_space<vmem>>) target(%dma_start3A_92 : memref<10240xf32, #tpu.memory_space<vmem_shared>>) offsets(%arg13 : memref<128xi32, #tpu.memory_space<vmem>>) semaphore(%run_scoped3A : memref<!tpu.dma_semaphore, #tpu.memory_space<semaphore_mem>>) {add = true}
            %dma_wait3A_93 = arith.constant 0 : i32
            %dma_wait3A_94 = tpu.memref_slice %arg17[%dma_wait3A_93] : memref<10240xf32, #tpu.memory_space<vmem_shared>> -> memref<10240xf32, #tpu.memory_space<vmem_shared>>
            tpu.wait_indirect_dma semaphore(%run_scoped3A : memref<!tpu.dma_semaphore, #tpu.memory_space<semaphore_mem>>) src(%arg15 : memref<128xf32, #tpu.memory_space<vmem>>) dst(%dma_wait3A_94 : memref<10240xf32, #tpu.memory_space<vmem_shared>>)
            tpu.yield
          }) : () -> ()
        } else {
        }
        %scan3A_90 = arith.constant 0 : i32
        scf.yield %scan3A_90 : i32
      }
      %scan3A_75 = arith.constant 79 : i32
    } else {
    }
    %barrier3A_59 = arith.constant 0 : index
    tpu.barrier barrier_id(%barrier3A_59)
    %eq3A_60 = arith.constant 0 : i32
    %eq3A_61 = arith.cmpi eq, %arg0, %eq3A_60 : i32
    %convert_element_type3A_62 = arith.extui %eq3A_61 : i1 to i32
    %cond3A_63 = arith.constant 0 : i32
    %cond3A_64 = arith.cmpi ne, %convert_element_type3A_62, %cond3A_63 : i32
    scf.if %cond3A_64 {
      "tpu.region"() ({
        %run_scoped3A = tpu.sem_alloc : memref<!tpu.dma_semaphore, #tpu.memory_space<semaphore_mem>>
        %dma_start3A = arith.constant 0 : i32
        %dma_start3A_70 = tpu.memref_slice %arg8[%mul3A_0, %dma_start3A] : memref<10240x128xf32, #tpu.memory_space<hbm>> -> memref<640x128xf32, #tpu.memory_space<hbm>>
        %dma_start3A_71 = arith.constant 0 : i32
        %dma_start3A_72 = tpu.memref_slice %arg16[%mul3A_0, %dma_start3A_71] : memref<10240x128xf32, #tpu.memory_space<vmem_shared>> -> memref<640x128xf32, #tpu.memory_space<vmem_shared>>
        tpu.enqueue_dma source(%dma_start3A_72 : memref<640x128xf32, #tpu.memory_space<vmem_shared>>) target(%dma_start3A_70 : memref<640x128xf32, #tpu.memory_space<hbm>>) target_semaphore(%run_scoped3A : memref<!tpu.dma_semaphore, #tpu.memory_space<semaphore_mem>>)
        %dma_wait3A = arith.constant 0 : i32
        %dma_wait3A_73 = tpu.memref_slice %arg8[%mul3A_0, %dma_wait3A] : memref<10240x128xf32, #tpu.memory_space<hbm>> -> memref<640x128xf32, #tpu.memory_space<hbm>>
        %dma_wait3A_74 = arith.constant 0 : i32
        %dma_wait3A_75 = tpu.memref_slice %arg16[%mul3A_0, %dma_wait3A_74] : memref<10240x128xf32, #tpu.memory_space<vmem_shared>> -> memref<640x128xf32, #tpu.memory_space<vmem_shared>>
        tpu.wait_dma2 semaphore(%run_scoped3A : memref<!tpu.dma_semaphore, #tpu.memory_space<semaphore_mem>>) src(%dma_wait3A_75 : memref<640x128xf32, #tpu.memory_space<vmem_shared>>) dst(%dma_wait3A_73 : memref<640x128xf32, #tpu.memory_space<hbm>>)
        tpu.yield
      }) : () -> ()
      "tpu.region"() ({
        %run_scoped3A = tpu.sem_alloc : memref<!tpu.dma_semaphore, #tpu.memory_space<semaphore_mem>>
        %dma_start3A = tpu.memref_slice %arg10[%mul3A_0] : memref<10240xf32, #tpu.memory_space<hbm>> -> memref<640xf32, #tpu.memory_space<hbm>>
        %dma_start3A_70 = tpu.memref_slice %arg17[%mul3A_0] : memref<10240xf32, #tpu.memory_space<vmem_shared>> -> memref<640xf32, #tpu.memory_space<vmem_shared>>
        tpu.enqueue_dma source(%dma_start3A_70 : memref<640xf32, #tpu.memory_space<vmem_shared>>) target(%dma_start3A : memref<640xf32, #tpu.memory_space<hbm>>) target_semaphore(%run_scoped3A : memref<!tpu.dma_semaphore, #tpu.memory_space<semaphore_mem>>)
        %dma_wait3A = tpu.memref_slice %arg10[%mul3A_0] : memref<10240xf32, #tpu.memory_space<hbm>> -> memref<640xf32, #tpu.memory_space<hbm>>
        %dma_wait3A_71 = tpu.memref_slice %arg17[%mul3A_0] : memref<10240xf32, #tpu.memory_space<vmem_shared>> -> memref<640xf32, #tpu.memory_space<vmem_shared>>
        tpu.wait_dma2 semaphore(%run_scoped3A : memref<!tpu.dma_semaphore, #tpu.memory_space<semaphore_mem>>) src(%dma_wait3A_71 : memref<640xf32, #tpu.memory_space<vmem_shared>>) dst(%dma_wait3A : memref<640xf32, #tpu.memory_space<hbm>>)
        tpu.yield
      }) : () -> ()
    } else {
    }
    %eq3A_65 = arith.constant 1 : i32
    %eq3A_66 = arith.cmpi eq, %arg0, %eq3A_65 : i32
    %convert_element_type3A_67 = arith.extui %eq3A_66 : i1 to i32
    %cond3A_68 = arith.constant 0 : i32
    %cond3A_69 = arith.cmpi ne, %convert_element_type3A_67, %cond3A_68 : i32
    scf.if %cond3A_69 {
      "tpu.region"() ({
        %run_scoped3A = tpu.sem_alloc : memref<!tpu.dma_semaphore, #tpu.memory_space<semaphore_mem>>
        %dma_start3A = arith.constant 0 : i32
        %dma_start3A_70 = tpu.memref_slice %arg9[%mul3A_0, %dma_start3A] : memref<10240x128xf32, #tpu.memory_space<hbm>> -> memref<640x128xf32, #tpu.memory_space<hbm>>
        %dma_start3A_71 = arith.constant 0 : i32
        %dma_start3A_72 = tpu.memref_slice %arg16[%mul3A_0, %dma_start3A_71] : memref<10240x128xf32, #tpu.memory_space<vmem_shared>> -> memref<640x128xf32, #tpu.memory_space<vmem_shared>>
        tpu.enqueue_dma source(%dma_start3A_72 : memref<640x128xf32, #tpu.memory_space<vmem_shared>>) target(%dma_start3A_70 : memref<640x128xf32, #tpu.memory_space<hbm>>) target_semaphore(%run_scoped3A : memref<!tpu.dma_semaphore, #tpu.memory_space<semaphore_mem>>)
        %dma_wait3A = arith.constant 0 : i32
        %dma_wait3A_73 = tpu.memref_slice %arg9[%mul3A_0, %dma_wait3A] : memref<10240x128xf32, #tpu.memory_space<hbm>> -> memref<640x128xf32, #tpu.memory_space<hbm>>
        %dma_wait3A_74 = arith.constant 0 : i32
        %dma_wait3A_75 = tpu.memref_slice %arg16[%mul3A_0, %dma_wait3A_74] : memref<10240x128xf32, #tpu.memory_space<vmem_shared>> -> memref<640x128xf32, #tpu.memory_space<vmem_shared>>
        tpu.wait_dma2 semaphore(%run_scoped3A : memref<!tpu.dma_semaphore, #tpu.memory_space<semaphore_mem>>) src(%dma_wait3A_75 : memref<640x128xf32, #tpu.memory_space<vmem_shared>>) dst(%dma_wait3A_73 : memref<640x128xf32, #tpu.memory_space<hbm>>)
        tpu.yield
      }) : () -> ()
      "tpu.region"() ({
        %run_scoped3A = tpu.sem_alloc : memref<!tpu.dma_semaphore, #tpu.memory_space<semaphore_mem>>
        %dma_start3A = tpu.memref_slice %arg11[%mul3A_0] : memref<10240xf32, #tpu.memory_space<hbm>> -> memref<640xf32, #tpu.memory_space<hbm>>
        %dma_start3A_70 = tpu.memref_slice %arg17[%mul3A_0] : memref<10240xf32, #tpu.memory_space<vmem_shared>> -> memref<640xf32, #tpu.memory_space<vmem_shared>>
        tpu.enqueue_dma source(%dma_start3A_70 : memref<640xf32, #tpu.memory_space<vmem_shared>>) target(%dma_start3A : memref<640xf32, #tpu.memory_space<hbm>>) target_semaphore(%run_scoped3A : memref<!tpu.dma_semaphore, #tpu.memory_space<semaphore_mem>>)
        %dma_wait3A = tpu.memref_slice %arg11[%mul3A_0] : memref<10240xf32, #tpu.memory_space<hbm>> -> memref<640xf32, #tpu.memory_space<hbm>>
        %dma_wait3A_71 = tpu.memref_slice %arg17[%mul3A_0] : memref<10240xf32, #tpu.memory_space<vmem_shared>> -> memref<640xf32, #tpu.memory_space<vmem_shared>>
        tpu.wait_dma2 semaphore(%run_scoped3A : memref<!tpu.dma_semaphore, #tpu.memory_space<semaphore_mem>>) src(%dma_wait3A_71 : memref<640xf32, #tpu.memory_space<vmem_shared>>) dst(%dma_wait3A : memref<640xf32, #tpu.memory_space<hbm>>)
        tpu.yield
      }) : () -> ()
    } else {
    }
    return
  }
}

module attributes {stable_mosaic.version = 14 : i64} {
  func.func @body(%arg0: i32, %arg1: memref<1000x256xf32, #tpu.memory_space<vmem>>, %arg2: memref<1000x128xf32, #tpu.memory_space<vmem>>, %arg3: memref<1000x128xf32, #tpu.memory_space<vmem>>, %arg4: memref<1000x1xf32, #tpu.memory_space<vmem>>, %arg5: memref<1000x1xf32, #tpu.memory_space<vmem>>, %arg6: memref<128x256xf32, #tpu.memory_space<vmem>>, %arg7: memref<128x256xf32, #tpu.memory_space<vmem>>, %arg8: memref<1x256xf32, #tpu.memory_space<vmem>>, %arg9: memref<1x1xf32, #tpu.memory_space<vmem>>, %arg10: memref<1x256xf32, #tpu.memory_space<vmem>>, %arg11: memref<1x256xf32, #tpu.memory_space<vmem>>, %arg12: memref<1000x256xf32, #tpu.memory_space<vmem>>) attributes {dimension_semantics = [#tpu.dimension_semantics<arbitrary>], iteration_bounds = array<i64: 10>, scalar_prefetch = 0 : i64, scratch_operands = 0 : i64, tpu.core_type = #tpu.core_type<tc>, window_params = [{transform_indices = @transform_0, window_bounds = array<i64: 1000, 256>}, {transform_indices = @transform_1, window_bounds = array<i64: 1000, 128>}, {transform_indices = @transform_2, window_bounds = array<i64: 1000, 128>}, {transform_indices = @transform_3, window_bounds = array<i64: 1000, 1>}, {transform_indices = @transform_4, window_bounds = array<i64: 1000, 1>}, {pipeline_mode = #tpu.pipeline_mode<synchronous>, transform_indices = @transform_5, window_bounds = array<i64: 128, 256>}, {pipeline_mode = #tpu.pipeline_mode<synchronous>, transform_indices = @transform_6, window_bounds = array<i64: 128, 256>}, {pipeline_mode = #tpu.pipeline_mode<synchronous>, transform_indices = @transform_7, window_bounds = array<i64: 1, 256>}, {pipeline_mode = #tpu.pipeline_mode<synchronous>, transform_indices = @transform_8, window_bounds = array<i64: 1, 1>}, {pipeline_mode = #tpu.pipeline_mode<synchronous>, transform_indices = @transform_9, window_bounds = array<i64: 1, 256>}, {pipeline_mode = #tpu.pipeline_mode<synchronous>, transform_indices = @transform_10, window_bounds = array<i64: 1, 256>}, {transform_indices = @transform_11, window_bounds = array<i64: 1000, 256>}]} {
    %get3A = arith.constant 0 : index
    %get3A_0 = arith.constant 0 : index
    %get3A_1 = vector.load %arg1[%get3A, %get3A_0] : memref<1000x256xf32, #tpu.memory_space<vmem>>, vector<1000x256xf32>
    %get3A_2 = arith.constant 0 : index
    %get3A_3 = arith.constant 0 : index
    %get3A_4 = vector.load %arg4[%get3A_2, %get3A_3] : memref<1000x1xf32, #tpu.memory_space<vmem>>, vector<1000x1xf32>
    %get3A_5 = arith.constant 0 : index
    %get3A_6 = arith.constant 0 : index
    %get3A_7 = vector.load %arg5[%get3A_5, %get3A_6] : memref<1000x1xf32, #tpu.memory_space<vmem>>, vector<1000x1xf32>
    %add3A = arith.addf %get3A_4, %get3A_7 : vector<1000x1xf32>
    %add3A_8 = arith.constant 1.000000e+00 : f32
    %add3A_9 = vector.broadcast %add3A_8 : f32 to vector<1000x1xf32>
    %add3A_10 = arith.addf %add3A, %add3A_9 : vector<1000x1xf32>
    %div3A = arith.constant 1.000000e+00 : f32
    %div3A_11 = vector.broadcast %div3A : f32 to vector<1000x1xf32>
    %div3A_12 = arith.divf %div3A_11, %add3A_10 : vector<1000x1xf32>
    %get3A_13 = arith.constant 0 : index
    %get3A_14 = arith.constant 0 : index
    %get3A_15 = vector.load %arg2[%get3A_13, %get3A_14] : memref<1000x128xf32, #tpu.memory_space<vmem>>, vector<1000x128xf32>
    %slice3A = vector.extract_strided_slice %get3A_1 {offsets = [0, 0], sizes = [1000, 128], strides = [1, 1]} : vector<1000x256xf32> to vector<1000x128xf32>
    %add3A_16 = arith.addf %get3A_15, %slice3A : vector<1000x128xf32>
    %mul3A = vector.broadcast %div3A_12 : vector<1000x1xf32> to vector<1000x128xf32>
    %mul3A_17 = arith.mulf %add3A_16, %mul3A : vector<1000x128xf32>
    %get3A_18 = arith.constant 0 : index
    %get3A_19 = arith.constant 0 : index
    %get3A_20 = vector.load %arg3[%get3A_18, %get3A_19] : memref<1000x128xf32, #tpu.memory_space<vmem>>, vector<1000x128xf32>
    %slice3A_21 = vector.extract_strided_slice %get3A_1 {offsets = [0, 128], sizes = [1000, 128], strides = [1, 1]} : vector<1000x256xf32> to vector<1000x128xf32>
    %add3A_22 = arith.addf %get3A_20, %slice3A_21 : vector<1000x128xf32>
    %mul3A_23 = vector.broadcast %div3A_12 : vector<1000x1xf32> to vector<1000x128xf32>
    %mul3A_24 = arith.mulf %add3A_22, %mul3A_23 : vector<1000x128xf32>
    %get3A_25 = arith.constant 0 : index
    %get3A_26 = arith.constant 0 : index
    %get3A_27 = vector.load %arg6[%get3A_25, %get3A_26] : memref<128x256xf32, #tpu.memory_space<vmem>>, vector<128x256xf32>
    %dot_general3A = arith.constant dense<0.000000e+00> : vector<1000x256xf32>
    %dot_general3A_28 = tpu.matmul %mul3A_17, %get3A_27, %dot_general3A {dimension_numbers = #tpu.dot_dimension_numbers<[1], [0], [0], [1], [0, 0, 1, 1], [], []>, transpose_lhs_hint = false} : vector<1000x128xf32>, vector<128x256xf32>, vector<1000x256xf32> -> vector<1000x256xf32>
    %get3A_29 = arith.constant 0 : index
    %get3A_30 = arith.constant 0 : index
    %get3A_31 = vector.load %arg7[%get3A_29, %get3A_30] : memref<128x256xf32, #tpu.memory_space<vmem>>, vector<128x256xf32>
    %dot_general3A_32 = arith.constant dense<0.000000e+00> : vector<1000x256xf32>
    %dot_general3A_33 = tpu.matmul %mul3A_24, %get3A_31, %dot_general3A_32 {dimension_numbers = #tpu.dot_dimension_numbers<[1], [0], [0], [1], [0, 0, 1, 1], [], []>, transpose_lhs_hint = false} : vector<1000x128xf32>, vector<128x256xf32>, vector<1000x256xf32> -> vector<1000x256xf32>
    %add3A_34 = arith.addf %dot_general3A_28, %dot_general3A_33 : vector<1000x256xf32>
    %get3A_35 = arith.constant 0 : index
    %get3A_36 = arith.constant 0 : index
    %get3A_37 = vector.load %arg8[%get3A_35, %get3A_36] : memref<1x256xf32, #tpu.memory_space<vmem>>, vector<1x256xf32>
    %add3A_38 = vector.broadcast %get3A_37 : vector<1x256xf32> to vector<1000x256xf32>
    %add3A_39 = arith.addf %add3A_34, %add3A_38 : vector<1000x256xf32>
    %get3A_40 = arith.constant 0 : index
    %get3A_41 = arith.constant 0 : index
    %get3A_42 = vector.load %arg9[%get3A_40, %get3A_41] : memref<1x1xf32, #tpu.memory_space<vmem>>, vector<1x1xf32>
    %get3A_43 = vector.extract %get3A_42[0, 0] : f32 from vector<1x1xf32>
    %logistic3A = arith.negf %get3A_43 : f32
    %logistic3A_44 = math.exp %logistic3A : f32
    %logistic3A_45 = arith.constant 1.000000e+00 : f32
    %logistic3A_46 = arith.addf %logistic3A_45, %logistic3A_44 : f32
    %logistic3A_47 = arith.divf %logistic3A_45, %logistic3A_46 : f32
    %mul3A_48 = vector.broadcast %logistic3A_47 : f32 to vector<1000x256xf32>
    %mul3A_49 = arith.mulf %add3A_39, %mul3A_48 : vector<1000x256xf32>
    %sub3A = arith.constant 1.000000e+00 : f32
    %sub3A_50 = arith.subf %sub3A, %logistic3A_47 : f32
    %mul3A_51 = vector.broadcast %sub3A_50 : f32 to vector<1000x256xf32>
    %mul3A_52 = arith.mulf %get3A_1, %mul3A_51 : vector<1000x256xf32>
    %add3A_53 = arith.addf %mul3A_49, %mul3A_52 : vector<1000x256xf32>
    %reduce_sum3A = arith.constant dense<0.000000e+00> : vector<1000xf32>
    %reduce_sum3A_54 = vector.multi_reduction <add>, %add3A_53, %reduce_sum3A [1] : vector<1000x256xf32> to vector<1000xf32>
    %broadcast_in_dim3A = vector.shape_cast %reduce_sum3A_54 : vector<1000xf32> to vector<1000x1xf32>
    %div3A_55 = arith.constant 2.560000e+02 : f32
    %div3A_56 = vector.broadcast %div3A_55 : f32 to vector<1000x1xf32>
    %div3A_57 = arith.divf %broadcast_in_dim3A, %div3A_56 : vector<1000x1xf32>
    %sub3A_58 = vector.broadcast %div3A_57 : vector<1000x1xf32> to vector<1000x256xf32>
    %sub3A_59 = arith.subf %add3A_53, %sub3A_58 : vector<1000x256xf32>
    %integer_pow3A = arith.mulf %sub3A_59, %sub3A_59 : vector<1000x256xf32>
    %reduce_sum3A_60 = arith.constant dense<0.000000e+00> : vector<1000xf32>
    %reduce_sum3A_61 = vector.multi_reduction <add>, %integer_pow3A, %reduce_sum3A_60 [1] : vector<1000x256xf32> to vector<1000xf32>
    %broadcast_in_dim3A_62 = vector.shape_cast %reduce_sum3A_61 : vector<1000xf32> to vector<1000x1xf32>
    %div3A_63 = arith.constant 2.560000e+02 : f32
    %div3A_64 = vector.broadcast %div3A_63 : f32 to vector<1000x1xf32>
    %div3A_65 = arith.divf %broadcast_in_dim3A_62, %div3A_64 : vector<1000x1xf32>
    %sub3A_66 = vector.broadcast %div3A_57 : vector<1000x1xf32> to vector<1000x256xf32>
    %sub3A_67 = arith.subf %add3A_53, %sub3A_66 : vector<1000x256xf32>
    %add3A_68 = arith.constant 9.99999974E-6 : f32
    %add3A_69 = vector.broadcast %add3A_68 : f32 to vector<1000x1xf32>
    %add3A_70 = arith.addf %div3A_65, %add3A_69 : vector<1000x1xf32>
    %rsqrt3A = math.rsqrt %add3A_70 : vector<1000x1xf32>
    %mul3A_71 = vector.broadcast %rsqrt3A : vector<1000x1xf32> to vector<1000x256xf32>
    %mul3A_72 = arith.mulf %sub3A_67, %mul3A_71 : vector<1000x256xf32>
    %get3A_73 = arith.constant 0 : index
    %get3A_74 = arith.constant 0 : index
    %get3A_75 = vector.load %arg10[%get3A_73, %get3A_74] : memref<1x256xf32, #tpu.memory_space<vmem>>, vector<1x256xf32>
    %mul3A_76 = vector.broadcast %get3A_75 : vector<1x256xf32> to vector<1000x256xf32>
    %mul3A_77 = arith.mulf %mul3A_72, %mul3A_76 : vector<1000x256xf32>
    %get3A_78 = arith.constant 0 : index
    %get3A_79 = arith.constant 0 : index
    %get3A_80 = vector.load %arg11[%get3A_78, %get3A_79] : memref<1x256xf32, #tpu.memory_space<vmem>>, vector<1x256xf32>
    %add3A_81 = vector.broadcast %get3A_80 : vector<1x256xf32> to vector<1000x256xf32>
    %add3A_82 = arith.addf %mul3A_77, %add3A_81 : vector<1000x256xf32>
    %swap3A = arith.constant 0 : index
    %swap3A_83 = arith.constant 0 : index
    %swap3A_84 = vector.load %arg12[%swap3A, %swap3A_83] : memref<1000x256xf32, #tpu.memory_space<vmem>>, vector<1000x256xf32>
    tpu.vector_store %arg12[%swap3A, %swap3A_83], %add3A_82 {strides = array<i32>} : memref<1000x256xf32, #tpu.memory_space<vmem>>, vector<1000x256xf32>,
    return
  }
  func.func @transform_0(%arg0: i32) -> (i32, i32) {
    %c0_i32 = arith.constant 0 : i32
    %c0_i32_0 = arith.constant 0 : i32
    return %arg0, %c0_i32 : i32, i32
  }
  func.func @transform_1(%arg0: i32) -> (i32, i32) {
    %c0_i32 = arith.constant 0 : i32
    %c0_i32_0 = arith.constant 0 : i32
    return %arg0, %c0_i32 : i32, i32
  }
  func.func @transform_2(%arg0: i32) -> (i32, i32) {
    %c0_i32 = arith.constant 0 : i32
    %c0_i32_0 = arith.constant 0 : i32
    return %arg0, %c0_i32 : i32, i32
  }
  func.func @transform_3(%arg0: i32) -> (i32, i32) {
    %c0_i32 = arith.constant 0 : i32
    %c0_i32_0 = arith.constant 0 : i32
    return %arg0, %c0_i32 : i32, i32
  }
  func.func @transform_4(%arg0: i32) -> (i32, i32) {
    %c0_i32 = arith.constant 0 : i32
    %c0_i32_0 = arith.constant 0 : i32
    return %arg0, %c0_i32 : i32, i32
  }
  func.func @transform_5(%arg0: i32) -> (i32, i32) {
    %c0_i32 = arith.constant 0 : i32
    %c0_i32_0 = arith.constant 0 : i32
    %c0_i32_1 = arith.constant 0 : i32
    return %c0_i32, %c0_i32_0 : i32, i32
  }
  func.func @transform_6(%arg0: i32) -> (i32, i32) {
    %c0_i32 = arith.constant 0 : i32
    %c0_i32_0 = arith.constant 0 : i32
    %c0_i32_1 = arith.constant 0 : i32
    return %c0_i32, %c0_i32_0 : i32, i32
  }
  func.func @transform_7(%arg0: i32) -> (i32, i32) {
    %c0_i32 = arith.constant 0 : i32
    %c0_i32_0 = arith.constant 0 : i32
    %c0_i32_1 = arith.constant 0 : i32
    return %c0_i32, %c0_i32_0 : i32, i32
  }
  func.func @transform_8(%arg0: i32) -> (i32, i32) {
    %c0_i32 = arith.constant 0 : i32
    %c0_i32_0 = arith.constant 0 : i32
    %c0_i32_1 = arith.constant 0 : i32
    return %c0_i32, %c0_i32_0 : i32, i32
  }
  func.func @transform_9(%arg0: i32) -> (i32, i32) {
    %c0_i32 = arith.constant 0 : i32
    %c0_i32_0 = arith.constant 0 : i32
    %c0_i32_1 = arith.constant 0 : i32
    return %c0_i32, %c0_i32_0 : i32, i32
  }
  func.func @transform_10(%arg0: i32) -> (i32, i32) {
    %c0_i32 = arith.constant 0 : i32
    %c0_i32_0 = arith.constant 0 : i32
    %c0_i32_1 = arith.constant 0 : i32
    return %c0_i32, %c0_i32_0 : i32, i32
  }
  func.func @transform_11(%arg0: i32) -> (i32, i32) {
    %c0_i32 = arith.constant 0 : i32
    %c0_i32_0 = arith.constant 0 : i32
    return %arg0, %c0_i32 : i32, i32
  }
}

</mosaic_0001>

<sc_bundles>
// kernel: kernel.4.cloned.1.call-start
scs
__scs_entry_jumppad:
0x0: {  	(pc) =	sbr.rel $0x88, $3  }
0x1: {  	(tag) =	ssettag $0x0;
	lr =	simm.s32 $0x1  }
0x2: {  	[smem:$0x3F9A] =	sst lr;
	_ =	strace $0xD0000000  }
0x3: {  	_ = 	snop  }
0x4: {  	_ = 	snop  }
0x5: {  	_ = 	snop  }
0x6: {  	_ = 	snop  }
0x7: {  	_ = 	snop  }
__scs_overlays_trampoline_lowered:
0x8: {  	[smem:$0x3FA9] =	sst s0  }
0x9: {  	[smem:$0x3FAA] =	sst s1  }
0xa: {  	[smem:$0x3FAB] =	sst s2  }
0xb: {  	[smem:$0x3FAC] =	sst s3  }
0xc: {  	[smem:$0x3FAD] =	sst s4  }
0xd: {  	[smem:$0x3FAE] =	sst s5  }
0xe: {  	[smem:$0x3FAF] =	sst s6  }
0xf: {  	[smem:$0x3FB0] =	sst s7  }
0x10: {  	[smem:$0x3FB1] =	sst s8  }
0x11: {  	[smem:$0x3FB2] =	sst s9;
	s0 =	simm.s32 @!p0 $0x0  }
0x12: {  	s1 =	sld [smem:$0x3F98];
	s0 =	simm.s32 @p0 $0x1  }
0x13: {  	[smem:$0x3FB3] =	sst s0;
	s0 =	simm.s32 @!p1 $0x0  }
0x14: {  	s2 =	sld [smem:$0x3F97];
	s0 =	simm.s32 @p1 $0x1  }
0x15: {  	[smem:$0x3FB4] =	sst s0;
	s0 =	simm.s32 @!p2 $0x0  }
0x16: {  	s3 =	sld [smem:$0x3FDB];
	s0 =	simm.s32 @p2 $0x1  }
0x17: {  	s4 =	simm.s32 $0x1BF5;
	[smem:$0x3FB6] =	sst s0  }
0x18: {  	s0 =	sld [smem:$0x3F99];
	_ =	swait.ge [sflag:s4], $0x0  }
0x19: {  	s7 =	sld [smem:$0x3F9A]  }
0x1a: {  	s8 =	sadd.s32 $0xFFFFE003, lr  }
0x1b: {  	s9 =	sadd.s32 $0xFFFFFEF7, lr;
	s5 =	simm.s32 $0xFFFFFFFF;
	p2 =	slt.u32 s8, $0xFFFFF086  }
0x1c: {  	p1 =	slt.u32 s9, $0xF7A;
	s5 =	simm.s32 @!p2 $0x0  }
0x1d: {  	s5 =	simm.s32 @p1 $0x1;
	p0 =	seq.s32 s7, s2  }
0x1e: {  	s7 =	smul.u32 @!p0 $0xF7A, s2;
	p2 =	seq.s32 @!p0 s5, $0x0  }
0x1f: {  	s9 =	smul.u32 $0xF7A, s1;
	s8 =	simm.s32 @!p0 $0x1BF5;
	p2 =	por !p2, p0  }
0x20: {  	[sflag:s8] =	ssyncset.s32 @!p0 $0xFFFFF086;
	s6 =	sadd.s32 @!p0 s3, s7;
	s7 =	simm.s32 @!p0 $0x108  }
0x21: {  	s3 =	sadd.s32 s3, s9;
	s6 =	sadd.s32 @!p0 $0x88, s6;
	s7 =	simm.s32 @p2 $0x1082  }
0x22: {  	[simem:s7], [sflag:s8] =	dma.local @!p0 [hbm:s6], $0xF7A  }
0x23: {  	s9 =	sor.u32 $0xD0000000, s2;
	s6 =	simm.s32 $0x108;
	_ =	swait.ge @!p0 [sflag:s8], $0x0  }
0x24: {  	s3 =	sadd.s32 $0x88, s3;
	s6 =	simm.s32 @!p1 $0x1082;
	[sflag:s4] =	ssyncset.s32 $0xFFFFF086  }
0x25: {  	[simem:s6], [sflag:s4] =	dma.local [hbm:s3], $0xF7A  }
0x26: {  	[smem:$0x3F9A] =	sst s1;
	(tag) =	ssettag s2;
	_ =	strace s9  }
0x27: {  	s1 =	sld [smem:$0x3FAA]  }
0x28: {  	s2 =	sld [smem:$0x3FAB]  }
0x29: {  	s4 =	sld [smem:$0x3FAD]  }
0x2a: {  	p0 =	seq.s32 s5, $0x0;
	s5 =	sld [smem:$0x3FAE]  }
0x2b: {  	s6 =	sld [smem:$0x3FAF]  }
0x2c: {  	s7 =	sld [smem:$0x3FB0]  }
0x2d: {  	s3 =	simm.s32 $0x108;
	s8 =	sld [smem:$0x3FB1]  }
0x2e: {  	s3 =	simm.s32 @!p0 $0x1082;
	s9 =	sld [smem:$0x3FB2]  }
0x2f: {  	lr =	sadd.s32 s0, s3;
	s0 =	sld [smem:$0x3FA9]  }
0x30: {  	s3 =	sld [smem:$0x3FAC]  }
0x31: {  	[smem:$0x3FB5] =	sst s10  }
0x32: {  	s10 =	sld [smem:$0x3FB3];
	_ =	sdelay $0x3  }
0x33: {  	p0 =	seq.s32 s10, $0x1;
	s10 =	sld [smem:$0x3FB5];
	_ =	sdelay $0x3  }
0x34: {  	[smem:$0x3FB5] =	sst s10  }
0x35: {  	s10 =	sld [smem:$0x3FB4];
	_ =	sdelay $0x3  }
0x36: {  	p1 =	seq.s32 s10, $0x1;
	s10 =	sld [smem:$0x3FB5];
	_ =	sdelay $0x3  }
0x37: {  	[smem:$0x3FB5] =	sst s10  }
0x38: {  	s10 =	sld [smem:$0x3FB6]  }
0x39: {  	_ = 	snop;
	(pc) =	sbr.ind lr, $3  }
0x3a: {  	_ = 	snop  }
0x3b: {  	_ = 	snop  }
0x3c: {  	p2 =	seq.s32 s10, $0x1;
	s10 =	sld [smem:$0x3FB5]  }
0x3d: {  	_ =	shalt  }
0x3e: {  	_ =	shalt  }
0x3f: {  	_ =	shalt  }
0x40: {  	_ =	shalt  }
0x41: {  	_ =	shalt  }
0x42: {  	_ =	shalt  }
0x43: {  	_ =	shalt  }
0x44: {  	_ =	shalt  }
0x45: {  	_ =	shalt  }
0x46: {  	_ =	shalt  }
0x47: {  	_ =	shalt  }
0x48: {  	_ =	shalt  }
0x49: {  	_ =	shalt  }
0x4a: {  	_ =	shalt  }
0x4b: {  	_ =	shalt  }
0x4c: {  	_ =	shalt  }
0x4d: {  	_ =	shalt  }
0x4e: {  	_ =	shalt  }
0x4f: {  	_ =	shalt  }
0x50: {  	_ =	shalt  }
0x51: {  	_ =	shalt  }
0x52: {  	_ =	shalt  }
0x53: {  	_ =	shalt  }
0x54: {  	_ =	shalt  }
0x55: {  	_ =	shalt  }
0x56: {  	_ =	shalt  }
0x57: {  	_ =	shalt  }
0x58: {  	_ =	shalt  }
0x59: {  	_ =	shalt  }
0x5a: {  	_ =	shalt  }
0x5b: {  	_ =	shalt  }
0x5c: {  	_ =	shalt  }
0x5d: {  	_ =	shalt  }
0x5e: {  	_ =	shalt  }
0x5f: {  	_ =	shalt  }
0x60: {  	_ =	shalt  }
0x61: {  	_ =	shalt  }
0x62: {  	_ =	shalt  }
0x63: {  	_ =	shalt  }
0x64: {  	_ =	shalt  }
0x65: {  	_ =	shalt  }
0x66: {  	_ =	shalt  }
0x67: {  	_ =	shalt  }
0x68: {  	_ =	shalt  }
0x69: {  	_ =	shalt  }
0x6a: {  	_ =	shalt  }
0x6b: {  	_ =	shalt  }
0x6c: {  	_ =	shalt  }
0x6d: {  	_ =	shalt  }
0x6e: {  	_ =	shalt  }
0x6f: {  	_ =	shalt  }
0x70: {  	_ =	shalt  }
0x71: {  	_ =	shalt  }
0x72: {  	_ =	shalt  }
0x73: {  	_ =	shalt  }
0x74: {  	_ =	shalt  }
0x75: {  	_ =	shalt  }
0x76: {  	_ =	shalt  }
0x77: {  	_ =	shalt  }
0x78: {  	_ =	shalt  }
0x79: {  	_ =	shalt  }
0x7a: {  	_ =	shalt  }
0x7b: {  	_ =	shalt  }
0x7c: {  	_ =	shalt  }
0x7d: {  	_ =	shalt  }
0x7e: {  	_ =	shalt  }
0x7f: {  	_ =	shalt  }
0x80: {  	_ =	shalt  }
0x81: {  	_ =	shalt  }
0x82: {  	_ =	shalt  }
0x83: {  	_ =	shalt  }
0x84: {  	_ =	shalt  }
0x85: {  	_ =	shalt  }
0x86: {  	_ =	shalt  }
0x87: {  	_ =	shalt  }
.Lfunc_end0:
.L_simem_size_0:
called_computation_lowered:
.L_overlay_start_0:
0x88: {  	s2 =	sld [smem:$0x3FD9]  }
0x89: {  	s3 =	sld [smem:$0x3FFE];
	_ =	sdelay $0x1  }
0x8a: {  	s1 =	srdreg.scid  }
0x8b: {  	s0 =	sand.u32 $0x1, s1  }
0x8c: {  	s17 =	sshll.u32 s0, $0xA;
	s2 =	sadd.s32 s3, s2  }
0x8d: {  	s2 =	sadd.s32 s2, s17  }
0x8e: {  	[smem:$0x3FC1] =	sst s2  }
0x8f: {  	_ = 	snop  }
0x90: {  	s2 =	sld [smem:$0x3FD0];
	(tm) =	ssettm $0x1  }
0x91: {  	s18 =	sld [smem:$0x3FFB];
	_ =	sdelay $0x3  }
0x92: {  	_ =	strace s18  }
0x93: {  	s3 =	sld [smem:$0x3FFC];
	_ =	sdelay $0x3  }
0x94: {  	_ =	strace s3  }
0x95: {  	s3 =	sld [smem:$0x3FFD];
	_ =	sdelay $0x3  }
0x96: {  	_ =	strace s3  }
0x97: {  	_ =	strace $0x8FFFFFFF  }
0x98: {  	s19 =	sld [smem:$0x3FDB];
	_ =	sdelay $0x1  }
0x99: {  	s4 =	simm.s32 $_scs_section_size  }
0x9a: {  	s5 =	simm.s32 $_size__tile_overlayer_lowered;
	s6 =	simm.s32 $_tile_overlayer_lowered  }
0x9b: {  	s22 =	simm.s32 $0x1BFF;
	s21 =	sshll.u32 s6, $0x1;
	s3 =	sadd.s32 s4, s19  }
0x9c: {  	s7 =	simm.s32 $0x0;
	s20 =	sshll.u32 s5, $0x1;
	s5 =	sadd.s32 s21, s3  }
0x9d: {  	[timem:s7], [sflag:s22] =	dma.local [hbm:s5], s20  }
0x9e: {  	_ =	swait.ge [sflag:s22], s20  }
0x9f: {  	s4 =	ssub.s32 $0x0, s20;
	[sflag:s22] =	ssyncset.done $0x0  }
0xa0: {  	[sflag:s22] =	ssyncadd.s32 s4;
	_ =	sdelay $0x1  }
0xa1: {  	s23 =	simm.s32 $0x1B8B  }
0xa2: {  	_ =	swait.ge [sflag:s23], $0x1  }
0xa3: {  	[sflag:s23] =	ssyncset.done $0x0  }
0xa4: {  	s25 =	simm.s32 $0x1B8E;
	s24 =	sld [smem:$0x3FFE];
	[sflag:s23] =	ssyncadd.s32 $0xFFFFFFFF  }
0xa5: {  	s26 =	simm.s32 $execute0_lowered;
	[smem:$0x3FD2] =	sst s25  }
0xa6: {  	s5 =	sshll.u32 s26, $0x1;
	_ =	strace $0x80000046;
	[dreg:$0x1] =	wrdreg $0xFFFFFFFF  }
0xa7: {  	s28 =	simm.s32 $_size_execute0_lowered;
	s3 =	sadd.s32 s3, s5;
	[dreg:$0x0] =	wrdreg $0x0  }
0xa8: {  	s5 =	sshll.u32 s28, $0x1;
	[dreg:$0x2] =	wrdreg s3  }
0xa9: {  	[dreg:$0x3] =	wrdreg s5  }
0xaa: {  	[dreg:$0x4] =	wrdreg $0xC0  }
0xab: {  	_ =	task [dreg:s7], $0x5FFFF  }
0xac: {  	[dreg:$0x1] =	wrdreg $0xFFFFFFFF  }
0xad: {  	[dreg:$0x0] =	wrdreg $0x60  }
0xae: {  	[dreg:$0x2] =	wrdreg s24  }
0xaf: {  	[dreg:$0x3] =	wrdreg s2  }
0xb0: {  	[dreg:$0x4] =	wrdreg $0x41800  }
0xb1: {  	[dreg:$0x5] =	wrdreg $0x181800  }
0xb2: {  	[dreg:$0x6] =	wrdreg $0x9  }
0xb3: {  	_ =	task.clear_ibuf [dreg:s7], $0x7FFFF;
	_ =	strace $0x90000046  }
0xb4: {  	s29 =	simm.s32 $0x9;
	_ =	strace $0x80000048  }
0xb5: {  	_ =	swait.ge [sflag:s29], $0x1  }
0xb6: {  	[sflag:s29] =	ssyncadd.s32 $0xFFFFFFFF  }
0xb7: {  	_ =	strace $0x90000048  }
0xb8: {  	_ =	sfence  }
0xb9: {  	s30 =	sld [smem:$0x0];
	_ =	sdelay $0x2  }
0xba: {  	s31 =	sshll.u32 s1, $0xD;
	s1 =	sshrl.u32 s1, $0x2  }
0xbb: {  	s3 =	sand.u32 $0x4000, s31;
	s1 =	sadd.s32 s1, s30  }
0xbc: {  	s0 =	sor.u32 s3, s0;
	s1 =	sshll.u32 s1, $0x11  }
0xbd: {  	s0 =	sor.u32 s1, s0  }
0xbe: {  	s0 =	sadd.s32 $0x8F2B, s0  }
0xbf: {  	[sflag:s0] =	ssyncadd.remote.s32 $0x1  }
0xc0: {  	_ =	sfence.sel $0xFFFF  }
0xc1: {  	[dreg:$0x0] =	wrdreg $0xFFFFFFFF;
	(pc) =	sbr.abs _section_cstart, $3  }
0xc2: {  	[dreg:$0x1] =	wrdreg $0xFFFFFFFF  }
0xc3: {  	_ =	task.clear_ibuf [dreg:s7], $0x2FFFF;
	_ =	strace $0x9FFFFFFF  }
0xc4: {  	(tm) =	ssettm $0x7FFFFFFF  }
0xc5: {  	_ =	shalt  }
tec
execute0_lowered:
.L_overlay_start_1:
0x0: {  	(tag) =	ssettag $0x1  }
0x1: {  	s0 =	rddreg [dreg:$0x0]  }
0x2: {  	s2 =	rddreg [dreg:$0x2]  }
0x3: {  	s3 =	rddreg [dreg:$0x3]  }
0x4: {  	s4 =	simm.s32 $0x0;
	s5 =	stileid.u32;
	s10 =	srdreg.scid  }
0x5: {  	s21 =	simm.s32 $0x80;
	s22 =	simm.s32 $0x100;
	s23 =	simm.s32 $0x1  }
0x6: {  	s26 =	simm.s32 $0x2;
	s28 =	simm.s32 $0x0;
	[smem:$0x7FF] =	sst s4  }
0x7: {  	s8 =	smul.u32 $0x4F0, s5;
	s6 =	sadd.s32 $0x28400, s0;
	s7 =	sadd.s32 $0x1200, s0  }
0x8: {  	s1 =	sadd.s32 $0x59C00, s0;
	s20 =	sand.u32 $0x1, s10;
	s12 =	smul.u32 $0x50000, s5  }
0x9: {  	s10 =	sadd.s32 $0x81C00, s0;
	s11 =	sadd.s32 $0xA9C00, s0;
	s15 =	smul.u32 $0x280, s5  }
0xa: {  	p0 =	sne.s32 s5, $0x0;
	_ =	strace $0x80000047;
	[dreg:$0x5] =	wrdreg s1  }
0xb: {  	s13 =	ssub.s32 $0x2, s20;
	s18 =	sshrl.u32 @!p0 s2, $0x3;
	s19 =	sshrl.u32 @!p0 s3, $0x3  }
0xc: {  	p1 =	sne.s32 s20, $0x0;
	s20 =	simm.s32 $0x3;
	s17 =	sadd.s32 s8, s0  }
.Ltmp0:
0xd: {  	s8 =	sadd.s32 $0x59600, s0;
	s14 =	sshrl.u32 s13, $0x1;
	(pc) =	sbr.rel .LBB2_1-.Ltmp0, $4  }
0xe: {  	s16 =	sshrl.u32 s12, $0x2;
	s12 =	sadd.s32 $0xAA200, s0;
	s25 =	sadd.s32 s15, s3  }
0xf: {  	s31 =	ssub.s32 s13, s14;
	s24 =	sadd.s32 s16, s2;
	s13 =	smul.u32 $0x2800, s5  }
0x10: {  	s14 =	sshrl.u32 s15, $0x3;
	s16 =	sadd.s32 $0x4F600, s17;
	s17 =	sadd.s32 $0x54600, s17  }
0x11: {  	v0 =	vimm.f32 $1.000000000e+00;
	s25 =	sshrl.u32 s25, $0x3;
	s15 =	smax.u32 s31, $0x1;
	s24 =	sshrl.u32 s24, $0x3  }
.LBB2_7:
0x12: {  	[sflag:s0] =	ssyncset.done @!p3 $0x0  }
0x13: {  	s29 =	smov.u32 s10;
	[sflag:s0] =	ssyncadd.s32 @!p3 $0xFFFFFF80;
	s0 =	smov.u32 s12  }
.LBB2_8:
0x14: {  	s1 =	sshll.u32 s5, $0x6  }
0x15: {  	s9 =	sadd.s32 s29, s13;
	[bflag:$0x0] =	sbarrier.arrive $0xFFFF;
	s1 =	sor.u32 $0x1C02, s1  }
0x16: {  	[hbm:s9], [sflag:s1] =	dma.local [spmem:s24], $0x2800  }
0x17: {  	s28 =	sadd.s32 $0x1, s28;
	_ =	swait.ge [sflag:s26], $0x2800  }
0x18: {  	p2 =	sne.s32 s28, s15;
	[sflag:s26] =	ssyncset.done $0x0  }
.Ltmp1:
0x19: {  	s0 =	sadd.s32 s0, s14;
	[sflag:s26] =	ssyncadd.s32 $0xFFFFD800;
	(pc) =	sbr.rel @!p2 .LBB2_9-.Ltmp1, $4  }
0x1a: {  	[hbm:s0], [sflag:s1] =	dma.local [spmem:s25], $0x50  }
0x1b: {  	_ =	swait.ge [sflag:s26], $0x50  }
0x1c: {  	[sflag:s26] =	ssyncset.done $0x0  }
0x1d: {  	[sflag:s26] =	ssyncadd.s32 $0xFFFFFFB0  }
.LBB2_1:
0x1e: {  	[tilespmem:$0x4100] =	vst v0  }
0x1f: {  	[tilespmem:$0x4110] =	vst v0  }
0x20: {  	[tilespmem:$0x4120] =	vst v0  }
0x21: {  	[tilespmem:$0x4130] =	vst v0  }
0x22: {  	[tilespmem:$0x4140] =	vst v0  }
0x23: {  	[tilespmem:$0x4150] =	vst v0  }
0x24: {  	[tilespmem:$0x4160] =	vst v0  }
0x25: {  	[tilespmem:$0x4170] =	vst v0;
	s0 =	simm.s32 @!p0 $0x1C02;
	s1 =	rddreg [dreg:$0x1];
	s29 =	simm.s32 @!p0 $0x2  }
0x26: {  	[spmem:s18], [sflag:s0] =	dma.local @!p0 [hbm:s1], $0x28000  }
0x27: {  	_ =	swait.ge @!p0 [sflag:s29], $0x28000  }
0x28: {  	[sflag:s29] =	ssyncset.done @!p0 $0x0  }
0x29: {  	[sflag:s29] =	ssyncadd.s32 @!p0 $0xFFFD8000  }
0x2a: {  	[spmem:s19], [sflag:s0] =	dma.local @!p0 [hbm:s8], $0x500  }
.Ltmp2:
0x2b: {  	_ =	swait.ge @!p0 [sflag:s29], $0x500;
	(pc) =	sbr.rel @p1 .LBB2_5-.Ltmp2, $3  }
0x2c: {  	[sflag:s29] =	ssyncset.done @!p0 $0x0  }
0x2d: {  	[sflag:s29] =	ssyncadd.s32 @!p0 $0xFFFFFB00  }
0x2e: {  	[bflag:$0x0] =	sbarrier.arrive $0xFFFF;
	_ =	sdelay $0x1  }
0x2f: {  	[tilespmem:s4], [sflag:$0x3] =	stream.linear.gather [hbm4b:s17+s4], $0x80, $0x38;
	[tilespmem:$0x18400] =	vst v63  }
0x30: {  	_ =	swait.ge [sflag:s20], $0x80  }
0x31: {  	[sflag:s20] =	ssyncset.done $0x0  }
0x32: {  	[sflag:s20] =	ssyncadd.s32 $0xFFFFFF80  }
0x33: {  	[tilespmem:s21], [sflag:$0x3] =	stream.linear.gather [hbm4b:s16+s4], $0x80, $0x38;
	[tilespmem:$0x18400] =	vst v63  }
0x34: {  	_ =	swait.ge [sflag:s20], $0x80  }
0x35: {  	[sflag:s20] =	ssyncset.done $0x0  }
0x36: {  	[sflag:s20] =	ssyncadd.s32 $0xFFFFFF80  }
0x37: {  	[tilespmem:s22], [sflag:$0x1] =	stream.indirect.gather [hbm4b:s6+s21], $0x80, s4, s21, $0xb8;
	[tilespmem:$0x18400] =	vst v63  }
0x38: {  	_ =	swait.ge [sflag:s23], $0x4000  }
0x39: {  	[sflag:s23] =	ssyncset.done $0x0  }
0x3a: {  	[sflag:s23] =	ssyncadd.s32 $0xFFFFC000  }
0x3b: {  	[spmem:s2] =	stream.indirect.scatter.add.f32 [tilespmem:s22], [sflag:$0x3], $0x80, s21, s21, $0xb8;
	[tilespmem:$0x18400] =	vst v63  }
0x3c: {  	_ =	swait.ge [sflag:s20], $0x4000  }
0x3d: {  	p3 =	por $0x0, $0x0;
	[sflag:s20] =	ssyncset.done $0x0  }
0x3e: {  	s0 =	simm.s32 @!p3 $0x80;
	s29 =	simm.s32 @!p3 $0x4100;
	[sflag:s20] =	ssyncadd.s32 $0xFFFFC000  }
0x3f: {  	[spmem:s3] =	stream.indirect.scatter.add.f32 @!p3 [tilespmem:s29], [sflag:$0x2], $0x1, s0, s0, $0xb8;
	[tilespmem:$0x18400] =	vst v63  }
0x40: {  	s30 =	sadd.s32 $0x10, s17;
	s0 =	simm.s32 @!p3 $0x2  }
0x41: {  	s31 =	smov.u32 s16;
	s29 =	simm.s32 $0x1;
	_ =	swait.ge @!p3 [sflag:s0], $0x80  }
.LBB2_3:
0x42: {  	[sflag:s0] =	ssyncset.done @!p3 $0x0  }
0x43: {  	s31 =	sadd.s32 $0x10, s31;
	s1 =	smov.u32 s29;
	s29 =	sadd.s32 $0x1, s29  }
0x44: {  	p2 =	seq.s32 s29, $0x4F;
	[sflag:s0] =	ssyncadd.s32 @!p3 $0xFFFFFF80  }
0x45: {  	[tilespmem:s4], [sflag:$0x3] =	stream.linear.gather [hbm4b:s30+s4], $0x80, $0x38;
	[tilespmem:$0x18400] =	vst v63  }
0x46: {  	_ =	swait.ge [sflag:s20], $0x80  }
0x47: {  	[sflag:s20] =	ssyncset.done $0x0  }
0x48: {  	[sflag:s20] =	ssyncadd.s32 $0xFFFFFF80  }
0x49: {  	[tilespmem:s21], [sflag:$0x3] =	stream.linear.gather [hbm4b:s31+s4], $0x80, $0x38;
	[tilespmem:$0x18400] =	vst v63  }
0x4a: {  	_ =	swait.ge [sflag:s20], $0x80  }
0x4b: {  	[sflag:s20] =	ssyncset.done $0x0  }
0x4c: {  	[sflag:s20] =	ssyncadd.s32 $0xFFFFFF80  }
0x4d: {  	[tilespmem:s22], [sflag:$0x1] =	stream.indirect.gather [hbm4b:s6+s21], $0x80, s4, s21, $0xb8;
	[tilespmem:$0x18400] =	vst v63  }
0x4e: {  	_ =	swait.ge [sflag:s23], $0x4000  }
0x4f: {  	[sflag:s23] =	ssyncset.done $0x0  }
0x50: {  	[sflag:s23] =	ssyncadd.s32 $0xFFFFC000  }
0x51: {  	[spmem:s2] =	stream.indirect.scatter.add.f32 [tilespmem:s22], [sflag:$0x3], $0x80, s21, s21, $0xb8;
	[tilespmem:$0x18400] =	vst v63  }
.Ltmp3:
0x52: {  	p3 =	sgt.u32 s1, $0x27;
	_ =	swait.ge [sflag:s20], $0x4000;
	(pc) =	sbr.rel @!p2 .LBB2_3-.Ltmp3, $4  }
0x53: {  	s1 =	simm.s32 @!p3 $0x80;
	s9 =	simm.s32 @!p3 $0x4100;
	[sflag:s20] =	ssyncset.done $0x0  }
0x54: {  	s0 =	simm.s32 @!p3 $0x2;
	[sflag:s20] =	ssyncadd.s32 $0xFFFFC000  }
0x55: {  	[spmem:s3] =	stream.indirect.scatter.add.f32 @!p3 [tilespmem:s9], [sflag:$0x2], $0x1, s1, s1, $0xb8;
	[tilespmem:$0x18400] =	vst v63  }
0x56: {  	s30 =	sadd.s32 $0x10, s30;
	_ =	swait.ge @!p3 [sflag:s0], $0x80  }
.Ltmp4:
0x57: {  	(pc) =	sbr.rel .LBB2_8-.Ltmp4, $3  }
0x58: {  	_ =	sdelay $0x1  }
0x59: {  	[sflag:s0] =	ssyncset.done @!p3 $0x0  }
0x5a: {  	s29 =	rddreg [dreg:$0x5];
	[sflag:s0] =	ssyncadd.s32 @!p3 $0xFFFFFF80;
	s0 =	smov.u32 s11  }
.LBB2_5:
0x5b: {  	[tilespmem:s4], [sflag:$0x3] =	stream.linear.gather [hbm4b:s17+s4], $0x80, $0x38;
	[tilespmem:$0x18400] =	vst v63  }
0x5c: {  	_ =	swait.ge [sflag:s20], $0x80  }
0x5d: {  	[sflag:s20] =	ssyncset.done $0x0  }
0x5e: {  	[sflag:s20] =	ssyncadd.s32 $0xFFFFFF80  }
0x5f: {  	[tilespmem:s21], [sflag:$0x3] =	stream.linear.gather [hbm4b:s16+s4], $0x80, $0x38;
	[tilespmem:$0x18400] =	vst v63  }
0x60: {  	_ =	swait.ge [sflag:s20], $0x80  }
0x61: {  	[sflag:s20] =	ssyncset.done $0x0  }
0x62: {  	[sflag:s20] =	ssyncadd.s32 $0xFFFFFF80  }
0x63: {  	[tilespmem:s22], [sflag:$0x1] =	stream.indirect.gather [hbm4b:s7+s21], $0x80, s4, s21, $0xb8;
	[tilespmem:$0x18400] =	vst v63  }
0x64: {  	_ =	swait.ge [sflag:s23], $0x4000  }
0x65: {  	[sflag:s23] =	ssyncset.done $0x0  }
0x66: {  	[sflag:s23] =	ssyncadd.s32 $0xFFFFC000  }
0x67: {  	[spmem:s2] =	stream.indirect.scatter.add.f32 [tilespmem:s22], [sflag:$0x3], $0x80, s21, s21, $0xb8;
	[tilespmem:$0x18400] =	vst v63  }
0x68: {  	_ =	swait.ge [sflag:s20], $0x4000  }
0x69: {  	p3 =	por $0x1, $0x1;
	[sflag:s20] =	ssyncset.done $0x0  }
0x6a: {  	s0 =	simm.s32 @!p3 $0x80;
	s1 =	simm.s32 @!p3 $0x4100;
	[sflag:s20] =	ssyncadd.s32 $0xFFFFC000  }
0x6b: {  	[spmem:s3] =	stream.indirect.scatter.add.f32 @!p3 [tilespmem:s1], [sflag:$0x2], $0x1, s0, s0, $0xb8;
	[tilespmem:$0x18400] =	vst v63  }
0x6c: {  	s29 =	simm.s32 $0x1;
	s0 =	simm.s32 @!p3 $0x2  }
0x6d: {  	s30 =	sadd.s32 $0x10, s17;
	s31 =	smov.u32 s16;
	_ =	swait.ge @!p3 [sflag:s0], $0x80  }
.LBB2_6:
0x6e: {  	[sflag:s0] =	ssyncset.done @!p3 $0x0  }
0x6f: {  	s31 =	sadd.s32 $0x10, s31;
	s1 =	smov.u32 s29;
	s29 =	sadd.s32 $0x1, s29  }
0x70: {  	p2 =	sne.s32 s29, $0x4F;
	[sflag:s0] =	ssyncadd.s32 @!p3 $0xFFFFFF80  }
0x71: {  	[tilespmem:s4], [sflag:$0x3] =	stream.linear.gather [hbm4b:s30+s4], $0x80, $0x38;
	[tilespmem:$0x18400] =	vst v63  }
0x72: {  	_ =	swait.ge [sflag:s20], $0x80  }
0x73: {  	[sflag:s20] =	ssyncset.done $0x0  }
0x74: {  	[sflag:s20] =	ssyncadd.s32 $0xFFFFFF80  }
0x75: {  	[tilespmem:s21], [sflag:$0x3] =	stream.linear.gather [hbm4b:s31+s4], $0x80, $0x38;
	[tilespmem:$0x18400] =	vst v63  }
0x76: {  	_ =	swait.ge [sflag:s20], $0x80  }
0x77: {  	[sflag:s20] =	ssyncset.done $0x0  }
0x78: {  	[sflag:s20] =	ssyncadd.s32 $0xFFFFFF80  }
0x79: {  	[tilespmem:s22], [sflag:$0x1] =	stream.indirect.gather [hbm4b:s7+s21], $0x80, s4, s21, $0xb8;
	[tilespmem:$0x18400] =	vst v63  }
0x7a: {  	_ =	swait.ge [sflag:s23], $0x4000  }
0x7b: {  	[sflag:s23] =	ssyncset.done $0x0  }
0x7c: {  	[sflag:s23] =	ssyncadd.s32 $0xFFFFC000  }
0x7d: {  	[spmem:s2] =	stream.indirect.scatter.add.f32 [tilespmem:s22], [sflag:$0x3], $0x80, s21, s21, $0xb8;
	[tilespmem:$0x18400] =	vst v63  }
.Ltmp5:
0x7e: {  	p3 =	slt.u32 s1, $0x28;
	_ =	swait.ge [sflag:s20], $0x4000;
	(pc) =	sbr.rel @p2 .LBB2_6-.Ltmp5, $4  }
0x7f: {  	s1 =	simm.s32 @!p3 $0x80;
	s9 =	simm.s32 @!p3 $0x4100;
	[sflag:s20] =	ssyncset.done $0x0  }
0x80: {  	s0 =	simm.s32 @!p3 $0x2;
	[sflag:s20] =	ssyncadd.s32 $0xFFFFC000  }
0x81: {  	[spmem:s3] =	stream.indirect.scatter.add.f32 @!p3 [tilespmem:s9], [sflag:$0x2], $0x1, s1, s1, $0xb8;
	[tilespmem:$0x18400] =	vst v63  }
0x82: {  	s30 =	sadd.s32 $0x10, s30;
	_ =	swait.ge @!p3 [sflag:s0], $0x80  }
.Ltmp6:
0x83: {  	_ = 	snop;
	(pc) =	sbr.rel .LBB2_7-.Ltmp6, $1  }
0x84: {  	_ =	sdelay $0x3  }
.LBB2_9:
0x85: {  	_ =	sfence.sel $0x180000  }
0x86: {  	[bflag:$0x0] =	sbarrier.arrive $0xFFFF  }
0x87: {  	_ =	strace $0x90000047  }
0x88: {  	[bflag:$0x2] =	sbarrier.arrive $0xFFFF  }
0x89: {  	s0 =	rddreg [dreg:$0x4]  }
0x8a: {  	s0 =	sadd.s32 @!p0 $0x100000, s0  }
0x8b: {  	[sflag:s0] =	ssyncadd.tile.s32 @!p0 $0x1;
	_ =	shalt  }
.Lfunc_end2:
_tile_overlayer_lowered:
.L_overlay_start_2:
0x8c: {  	(tag) =	ssettag $0x2  }
0x8d: {  	s0 =	rddreg [dreg:$0x0];
	s2 =	stileid.u32  }
0x8e: {  	s1 =	rddreg [dreg:$0x1];
	p0 =	sne.s32 s2, $0x0  }
0x8f: {  	s3 =	rddreg [dreg:$0x2];
	[bflag:$0x3] =	sbarrier.arrive $0xFFFF;
	s2 =	simm.s32 @!p0 $0x1C02  }
0x90: {  	[timem:s3], [sflag:s2] =	dma.local @!p0 [hbm:s0], s1  }
0x91: {  	s0 =	simm.s32 @!p0 $0x2  }
0x92: {  	_ =	swait.ge @!p0 [sflag:s0], s1  }
0x93: {  	s1 =	ssub.s32 @!p0 $0x0, s1;
	[sflag:s0] =	ssyncset.done @!p0 $0x0  }
0x94: {  	[sflag:s0] =	ssyncadd.s32 @!p0 s1  }
0x95: {  	[bflag:$0x3] =	sbarrier.arrive $0xFFFF  }
0x96: {  	_ =	shalt  }

</sc_bundles>
